<compile_context>
chip_gen: v7x
topology: tpu7x:2x2x1
jax: 0.10.2.dev20260603
libtpu: 0.0.44.dev20260713+nightly
codegen_flags: <defaults>
</compile_context>

<pallas_src>
import functools

import jax
import jax.numpy as jnp
from jax import lax
from jax.experimental import pallas as pl
from jax.experimental.pallas import tpu as pltpu
from jax.experimental.pallas import tpu_sc as plsc

_D = 256
_V = 8192
_TB = 512


def _argmin_body(x_ref, w_ref, out_ref, wn_ref, wb_ref):
    @pl.when(pl.program_id(0) == 0)
    def _():
        wb_ref[...] = w_ref[...].astype(jnp.bfloat16).T
        wt = wb_ref[...].astype(jnp.float32)
        wn_ref[...] = jnp.sum(wt * wt, axis=0, keepdims=True)

    xb = (x_ref[...] * -2.0).astype(jnp.bfloat16)
    dots = lax.dot_general(xb, wb_ref[...], (((1,), (0,)), ((), ())),
                           preferred_element_type=jnp.float32)
    scores = dots + wn_ref[...]
    ids = lax.broadcasted_iota(jnp.int32, scores.shape, 1)
    key = (lax.bitcast_convert_type(scores, jnp.int32) & jnp.int32(-_V)) | ids
    keyf = lax.bitcast_convert_type(key, jnp.float32)
    mf = jnp.min(keyf, axis=1)
    idx = lax.bitcast_convert_type(mf, jnp.int32) & jnp.int32(_V - 1)
    out_ref[...] = idx.reshape(1, 1, _TB)


def _tc_argmin(flat, weight):
    n = flat.shape[0]
    grid = n // _TB
    out = pl.pallas_call(
        _argmin_body,
        grid=(grid,),
        in_specs=[
            pl.BlockSpec((_TB, _D), lambda i: (i, 0)),
            pl.BlockSpec((_V, _D), lambda i: (0, 0)),
        ],
        out_specs=pl.BlockSpec((1, 1, _TB), lambda i: (i, 0, 0)),
        out_shape=jax.ShapeDtypeStruct((grid, 1, _TB), jnp.int32),
        scratch_shapes=[pltpu.VMEM((1, _V), jnp.float32),
                        pltpu.VMEM((_D, _V), jnp.bfloat16)],
    )(flat, weight)
    return out.reshape(n)


_NW = 32


def _make_sc_residual(chunk, nchunk):
    def body(w_hbm, x_hbm, idx_hbm, out_hbm, *scr):
        idxs = scr[:nchunk]
        rows_v, x_v, acc_v = scr[nchunk:nchunk + 3]
        gsems = scr[nchunk + 3:nchunk + 5]
        xsems = scr[nchunk + 5:nchunk + 7]
        wid = lax.axis_index("s") * 2 + lax.axis_index("c")
        base0 = wid * nchunk * chunk
        for c in range(nchunk):
            pltpu.sync_copy(idx_hbm.at[pl.ds(base0 + c * chunk, chunk)],
                            idxs[c])

        def start(c):
            b = c & 1
            g = pltpu.async_copy(w_hbm.at[idxs[c]], rows_v.at[b], gsems[b])
            x = pltpu.async_copy(x_hbm.at[pl.ds(base0 + c * chunk, chunk)],
                                 x_v.at[b], xsems[b])
            return g, x

        acc = jnp.zeros((16,), jnp.float32)
        pending = start(0)
        for c in range(nchunk):
            nxt = start(c + 1) if c + 1 < nchunk else None
            pending[0].wait()
            pending[1].wait()
            b = c & 1

            def inner(t, a, _b=b):
                for j in range(_D // 16):
                    d = (x_v[_b, t, pl.ds(j * 16, 16)]
                         - rows_v[_b, t, pl.ds(j * 16, 16)])
                    a = a + d * d
                return a

            acc = lax.fori_loop(0, chunk, inner, acc)
            pending = nxt
        acc_v[...] = acc
        pltpu.sync_copy(acc_v, out_hbm.at[wid])

    mesh = plsc.VectorSubcoreMesh(core_axis_name="c", subcore_axis_name="s")
    return functools.partial(
        pl.kernel,
        mesh=mesh,
        out_type=jax.ShapeDtypeStruct((_NW, 16), jnp.float32),
        scratch_types=(
            [pltpu.VMEM((chunk,), jnp.int32)] * nchunk
            + [pltpu.VMEM((2, chunk, _D), jnp.float32),
               pltpu.VMEM((2, chunk, _D), jnp.float32),
               pltpu.VMEM((16,), jnp.float32)]
            + [pltpu.SemaphoreType.DMA] * 4
        ),
    )(body)


def kernel(inputs, weight):
    flat = inputs.reshape(-1, _D)
    n = flat.shape[0]
    idx = _tc_argmin(flat, weight)
    partials = _make_sc_residual(chunk=72, nchunk=4)(weight, flat, idx)
    return jnp.sum(partials) / jnp.float32(n * _D)

# --- scband reference (transcript-rebuilt; emitter-appended) ---
"""Pipeline reference for scband-kmeans-batch-712964571137 (READ-ONLY COPY).

The authoritative reference and input builder live on the scoring server;
editing this copy changes nothing except your own understanding.
"""

import jax, jax.numpy as jnp
import numpy as np

NUM_EMBEDDINGS = 8192
EMBEDDING_DIM = 256  # win_size(16) * num_pellets(16)

def setup_inputs(seed: int = 0) -> dict:
    key = jax.random.key(seed)
    k1, k2 = jax.random.split(key)
    inputs = jax.random.normal(k1, (16, 576, EMBEDDING_DIM), dtype=jnp.float32)
    # learned (frozen) embedding table of the Kmeans codebook
    weight = jax.random.normal(k2, (NUM_EMBEDDINGS, EMBEDDING_DIM), dtype=jnp.float32)
    return {"inputs": inputs, "weight": weight}

def reference(inputs, weight):
    input_shape = inputs.shape
    flat_input = inputs.reshape(-1, EMBEDDING_DIM)
    # squared L2 distances: ||x||^2 + ||e||^2 - 2 x e^T
    distances = (jnp.sum(flat_input ** 2, axis=1, keepdims=True)
                 + jnp.sum(weight ** 2, axis=1)
                 - 2.0 * jnp.matmul(flat_input, weight.T))
    encoding_indices = jnp.argmin(distances, axis=1)
    # one-hot scatter (encodings.scatter_(1, idx, 1))
    encodings = jax.nn.one_hot(encoding_indices, NUM_EMBEDDINGS, dtype=jnp.float32)
    quantized = jnp.matmul(encodings, weight).reshape(input_shape)
    loss_vq = jnp.mean((quantized - inputs) ** 2)
    return loss_vq

if __name__ == "__main__":
    import jax
    _d = setup_inputs()
    print(jax.jit(kernel)(*tuple(_d.values())))

</pallas_src>

<mosaic_0001>
#map = affine_map<(d0, d1) -> (0, 0)>
#map1 = affine_map<(d0, d1) -> (0)>
module attributes {stable_mosaic.version = 14 : i64} {
  func.func @body(%arg0: i32, %arg1: i32, %arg2: memref<8192x256xf32, #tpu.memory_space<hbm>>, %arg3: memref<9216x256xf32, #tpu.memory_space<hbm>>, %arg4: memref<9216xi32, #tpu.memory_space<hbm>>, %arg5: memref<32x16xf32, #tpu.memory_space<hbm>>, %arg6: memref<72xi32, #tpu.memory_space<vmem>>, %arg7: memref<72xi32, #tpu.memory_space<vmem>>, %arg8: memref<72xi32, #tpu.memory_space<vmem>>, %arg9: memref<72xi32, #tpu.memory_space<vmem>>, %arg10: memref<2x72x256xf32, #tpu.memory_space<vmem>>, %arg11: memref<2x72x256xf32, #tpu.memory_space<vmem>>, %arg12: memref<16xf32, #tpu.memory_space<vmem>>, %arg13: memref<!tpu.dma_semaphore, #tpu.memory_space<semaphore_mem>>, %arg14: memref<!tpu.dma_semaphore, #tpu.memory_space<semaphore_mem>>, %arg15: memref<!tpu.dma_semaphore, #tpu.memory_space<semaphore_mem>>, %arg16: memref<!tpu.dma_semaphore, #tpu.memory_space<semaphore_mem>>) attributes {dimension_semantics = [#tpu.dimension_semantics<core_parallel>, #tpu.dimension_semantics<subcore_parallel>], iteration_bounds = array<i64: 2, 16>, scalar_prefetch = 0 : i64, scratch_operands = 11 : i64, tpu.core_type = #tpu.core_type<sc_vector_subcore>, window_params = [{transform_indices = #map}, {transform_indices = #map}, {transform_indices = #map1}, {transform_indices = #map}]} {
    %mul3A = arith.constant 2 : i32
    %mul3A_0 = arith.muli %arg1, %mul3A : i32
    %add3A = arith.addi %mul3A_0, %arg0 : i32
    %mul3A_1 = arith.constant 4 : i32
    %mul3A_2 = arith.muli %add3A, %mul3A_1 : i32
    %mul3A_3 = arith.constant 72 : i32
    %mul3A_4 = arith.muli %mul3A_2, %mul3A_3 : i32
    %add3A_5 = arith.constant 0 : i32
    %add3A_6 = arith.addi %mul3A_4, %add3A_5 : i32
    "tpu.region"() ({
      %run_scoped3A = tpu.sem_alloc : memref<!tpu.dma_semaphore, #tpu.memory_space<semaphore_mem>>
      %dma_start3A_214 = tpu.memref_slice %arg4[%add3A_6] : memref<9216xi32, #tpu.memory_space<hbm>> -> memref<72xi32, #tpu.memory_space<hbm>>
      %dma_start3A_215 = tpu.memref_slice %arg4[%add3A_6] : memref<9216xi32, #tpu.memory_space<hbm>> -> memref<72xi32, #tpu.memory_space<hbm>>
      tpu.enqueue_dma source(%dma_start3A_215 : memref<72xi32, #tpu.memory_space<hbm>>) target(%arg6 : memref<72xi32, #tpu.memory_space<vmem>>) target_semaphore(%run_scoped3A : memref<!tpu.dma_semaphore, #tpu.memory_space<semaphore_mem>>)
      %dma_wait3A_216 = tpu.memref_slice %arg4[%add3A_6] : memref<9216xi32, #tpu.memory_space<hbm>> -> memref<72xi32, #tpu.memory_space<hbm>>
      %dma_wait3A_217 = tpu.memref_slice %arg4[%add3A_6] : memref<9216xi32, #tpu.memory_space<hbm>> -> memref<72xi32, #tpu.memory_space<hbm>>
      tpu.wait_dma2 semaphore(%run_scoped3A : memref<!tpu.dma_semaphore, #tpu.memory_space<semaphore_mem>>) src(%dma_wait3A_217 : memref<72xi32, #tpu.memory_space<hbm>>) dst(%arg6 : memref<72xi32, #tpu.memory_space<vmem>>)
      tpu.yield
    }) : () -> ()
    %add3A_7 = arith.constant 72 : i32
    %add3A_8 = arith.addi %mul3A_4, %add3A_7 : i32
    "tpu.region"() ({
      %run_scoped3A = tpu.sem_alloc : memref<!tpu.dma_semaphore, #tpu.memory_space<semaphore_mem>>
      %dma_start3A_214 = tpu.memref_slice %arg4[%add3A_8] : memref<9216xi32, #tpu.memory_space<hbm>> -> memref<72xi32, #tpu.memory_space<hbm>>
      %dma_start3A_215 = tpu.memref_slice %arg4[%add3A_8] : memref<9216xi32, #tpu.memory_space<hbm>> -> memref<72xi32, #tpu.memory_space<hbm>>
      tpu.enqueue_dma source(%dma_start3A_215 : memref<72xi32, #tpu.memory_space<hbm>>) target(%arg7 : memref<72xi32, #tpu.memory_space<vmem>>) target_semaphore(%run_scoped3A : memref<!tpu.dma_semaphore, #tpu.memory_space<semaphore_mem>>)
      %dma_wait3A_216 = tpu.memref_slice %arg4[%add3A_8] : memref<9216xi32, #tpu.memory_space<hbm>> -> memref<72xi32, #tpu.memory_space<hbm>>
      %dma_wait3A_217 = tpu.memref_slice %arg4[%add3A_8] : memref<9216xi32, #tpu.memory_space<hbm>> -> memref<72xi32, #tpu.memory_space<hbm>>
      tpu.wait_dma2 semaphore(%run_scoped3A : memref<!tpu.dma_semaphore, #tpu.memory_space<semaphore_mem>>) src(%dma_wait3A_217 : memref<72xi32, #tpu.memory_space<hbm>>) dst(%arg7 : memref<72xi32, #tpu.memory_space<vmem>>)
      tpu.yield
    }) : () -> ()
    %add3A_9 = arith.constant 144 : i32
    %add3A_10 = arith.addi %mul3A_4, %add3A_9 : i32
    "tpu.region"() ({
      %run_scoped3A = tpu.sem_alloc : memref<!tpu.dma_semaphore, #tpu.memory_space<semaphore_mem>>
      %dma_start3A_214 = tpu.memref_slice %arg4[%add3A_10] : memref<9216xi32, #tpu.memory_space<hbm>> -> memref<72xi32, #tpu.memory_space<hbm>>
      %dma_start3A_215 = tpu.memref_slice %arg4[%add3A_10] : memref<9216xi32, #tpu.memory_space<hbm>> -> memref<72xi32, #tpu.memory_space<hbm>>
      tpu.enqueue_dma source(%dma_start3A_215 : memref<72xi32, #tpu.memory_space<hbm>>) target(%arg8 : memref<72xi32, #tpu.memory_space<vmem>>) target_semaphore(%run_scoped3A : memref<!tpu.dma_semaphore, #tpu.memory_space<semaphore_mem>>)
      %dma_wait3A_216 = tpu.memref_slice %arg4[%add3A_10] : memref<9216xi32, #tpu.memory_space<hbm>> -> memref<72xi32, #tpu.memory_space<hbm>>
      %dma_wait3A_217 = tpu.memref_slice %arg4[%add3A_10] : memref<9216xi32, #tpu.memory_space<hbm>> -> memref<72xi32, #tpu.memory_space<hbm>>
      tpu.wait_dma2 semaphore(%run_scoped3A : memref<!tpu.dma_semaphore, #tpu.memory_space<semaphore_mem>>) src(%dma_wait3A_217 : memref<72xi32, #tpu.memory_space<hbm>>) dst(%arg8 : memref<72xi32, #tpu.memory_space<vmem>>)
      tpu.yield
    }) : () -> ()
    %add3A_11 = arith.constant 216 : i32
    %add3A_12 = arith.addi %mul3A_4, %add3A_11 : i32
    "tpu.region"() ({
      %run_scoped3A = tpu.sem_alloc : memref<!tpu.dma_semaphore, #tpu.memory_space<semaphore_mem>>
      %dma_start3A_214 = tpu.memref_slice %arg4[%add3A_12] : memref<9216xi32, #tpu.memory_space<hbm>> -> memref<72xi32, #tpu.memory_space<hbm>>
      %dma_start3A_215 = tpu.memref_slice %arg4[%add3A_12] : memref<9216xi32, #tpu.memory_space<hbm>> -> memref<72xi32, #tpu.memory_space<hbm>>
      tpu.enqueue_dma source(%dma_start3A_215 : memref<72xi32, #tpu.memory_space<hbm>>) target(%arg9 : memref<72xi32, #tpu.memory_space<vmem>>) target_semaphore(%run_scoped3A : memref<!tpu.dma_semaphore, #tpu.memory_space<semaphore_mem>>)
      %dma_wait3A_216 = tpu.memref_slice %arg4[%add3A_12] : memref<9216xi32, #tpu.memory_space<hbm>> -> memref<72xi32, #tpu.memory_space<hbm>>
      %dma_wait3A_217 = tpu.memref_slice %arg4[%add3A_12] : memref<9216xi32, #tpu.memory_space<hbm>> -> memref<72xi32, #tpu.memory_space<hbm>>
      tpu.wait_dma2 semaphore(%run_scoped3A : memref<!tpu.dma_semaphore, #tpu.memory_space<semaphore_mem>>) src(%dma_wait3A_217 : memref<72xi32, #tpu.memory_space<hbm>>) dst(%arg9 : memref<72xi32, #tpu.memory_space<vmem>>)
      tpu.yield
    }) : () -> ()
    %broadcast_in_dim3A = arith.constant 0.000000e+00 : f32
    %broadcast_in_dim3A_13 = vector.broadcast %broadcast_in_dim3A : f32 to vector<16xf32>
    %dma_start3A = arith.constant 0 : i32
    %dma_start3A_14 = arith.constant 0 : i32
    %dma_start3A_15 = arith.constant 0 : i32
    %dma_start3A_16 = tpu.memref_slice %arg10[%dma_start3A, %dma_start3A_14, %dma_start3A_15] : memref<2x72x256xf32, #tpu.memory_space<vmem>> -> memref<1x72x256xf32, #tpu.memory_space<vmem>>
    %dma_start3A_17 = tpu.memref_squeeze %dma_start3A_16 : memref<1x72x256xf32, #tpu.memory_space<vmem>> -> memref<72x256xf32, #tpu.memory_space<vmem>>
    %dma_start3A_18 = arith.constant 0 : i32
    %dma_start3A_19 = arith.constant 0 : i32
    %dma_start3A_20 = tpu.memref_slice %arg2[%dma_start3A_18, %dma_start3A_19] : memref<8192x256xf32, #tpu.memory_space<hbm>> -> memref<8192x256xf32, #tpu.memory_space<hbm>>
    tpu.enqueue_indirect_dma source(%dma_start3A_20 : memref<8192x256xf32, #tpu.memory_space<hbm>>) target(%dma_start3A_17 : memref<72x256xf32, #tpu.memory_space<vmem>>) offsets(%arg6 : memref<72xi32, #tpu.memory_space<vmem>>) semaphore(%arg13 : memref<!tpu.dma_semaphore, #tpu.memory_space<semaphore_mem>>)
    %add3A_21 = arith.constant 0 : i32
    %add3A_22 = arith.addi %mul3A_4, %add3A_21 : i32
    %dma_start3A_23 = arith.constant 0 : i32
    %dma_start3A_24 = arith.constant 0 : i32
    %dma_start3A_25 = arith.constant 0 : i32
    %dma_start3A_26 = tpu.memref_slice %arg11[%dma_start3A_23, %dma_start3A_24, %dma_start3A_25] : memref<2x72x256xf32, #tpu.memory_space<vmem>> -> memref<1x72x256xf32, #tpu.memory_space<vmem>>
    %dma_start3A_27 = tpu.memref_squeeze %dma_start3A_26 : memref<1x72x256xf32, #tpu.memory_space<vmem>> -> memref<72x256xf32, #tpu.memory_space<vmem>>
    %dma_start3A_28 = arith.constant 0 : i32
    %dma_start3A_29 = tpu.memref_slice %arg3[%add3A_22, %dma_start3A_28] : memref<9216x256xf32, #tpu.memory_space<hbm>> -> memref<72x256xf32, #tpu.memory_space<hbm>>
    %dma_start3A_30 = arith.constant 0 : i32
    %dma_start3A_31 = arith.constant 0 : i32
    %dma_start3A_32 = tpu.memref_slice %arg11[%dma_start3A_23, %dma_start3A_30, %dma_start3A_31] : memref<2x72x256xf32, #tpu.memory_space<vmem>> -> memref<1x72x256xf32, #tpu.memory_space<vmem>>
    %dma_start3A_33 = tpu.memref_squeeze %dma_start3A_32 : memref<1x72x256xf32, #tpu.memory_space<vmem>> -> memref<72x256xf32, #tpu.memory_space<vmem>>
    %dma_start3A_34 = arith.constant 0 : i32
    %dma_start3A_35 = tpu.memref_slice %arg3[%add3A_22, %dma_start3A_34] : memref<9216x256xf32, #tpu.memory_space<hbm>> -> memref<72x256xf32, #tpu.memory_space<hbm>>
    tpu.enqueue_dma source(%dma_start3A_35 : memref<72x256xf32, #tpu.memory_space<hbm>>) target(%dma_start3A_33 : memref<72x256xf32, #tpu.memory_space<vmem>>) target_semaphore(%arg15 : memref<!tpu.dma_semaphore, #tpu.memory_space<semaphore_mem>>)
    %dma_start3A_36 = arith.constant 1 : i32
    %dma_start3A_37 = arith.constant 0 : i32
    %dma_start3A_38 = arith.constant 0 : i32
    %dma_start3A_39 = tpu.memref_slice %arg10[%dma_start3A_36, %dma_start3A_37, %dma_start3A_38] : memref<2x72x256xf32, #tpu.memory_space<vmem>> -> memref<1x72x256xf32, #tpu.memory_space<vmem>>
    %dma_start3A_40 = tpu.memref_squeeze %dma_start3A_39 : memref<1x72x256xf32, #tpu.memory_space<vmem>> -> memref<72x256xf32, #tpu.memory_space<vmem>>
    %dma_start3A_41 = arith.constant 0 : i32
    %dma_start3A_42 = arith.constant 0 : i32
    %dma_start3A_43 = tpu.memref_slice %arg2[%dma_start3A_41, %dma_start3A_42] : memref<8192x256xf32, #tpu.memory_space<hbm>> -> memref<8192x256xf32, #tpu.memory_space<hbm>>
    tpu.enqueue_indirect_dma source(%dma_start3A_43 : memref<8192x256xf32, #tpu.memory_space<hbm>>) target(%dma_start3A_40 : memref<72x256xf32, #tpu.memory_space<vmem>>) offsets(%arg7 : memref<72xi32, #tpu.memory_space<vmem>>) semaphore(%arg14 : memref<!tpu.dma_semaphore, #tpu.memory_space<semaphore_mem>>)
    %add3A_44 = arith.constant 72 : i32
    %add3A_45 = arith.addi %mul3A_4, %add3A_44 : i32
    %dma_start3A_46 = arith.constant 1 : i32
    %dma_start3A_47 = arith.constant 0 : i32
    %dma_start3A_48 = arith.constant 0 : i32
    %dma_start3A_49 = tpu.memref_slice %arg11[%dma_start3A_46, %dma_start3A_47, %dma_start3A_48] : memref<2x72x256xf32, #tpu.memory_space<vmem>> -> memref<1x72x256xf32, #tpu.memory_space<vmem>>
    %dma_start3A_50 = tpu.memref_squeeze %dma_start3A_49 : memref<1x72x256xf32, #tpu.memory_space<vmem>> -> memref<72x256xf32, #tpu.memory_space<vmem>>
    %dma_start3A_51 = arith.constant 0 : i32
    %dma_start3A_52 = tpu.memref_slice %arg3[%add3A_45, %dma_start3A_51] : memref<9216x256xf32, #tpu.memory_space<hbm>> -> memref<72x256xf32, #tpu.memory_space<hbm>>
    %dma_start3A_53 = arith.constant 0 : i32
    %dma_start3A_54 = arith.constant 0 : i32
    %dma_start3A_55 = tpu.memref_slice %arg11[%dma_start3A_46, %dma_start3A_53, %dma_start3A_54] : memref<2x72x256xf32, #tpu.memory_space<vmem>> -> memref<1x72x256xf32, #tpu.memory_space<vmem>>
    %dma_start3A_56 = tpu.memref_squeeze %dma_start3A_55 : memref<1x72x256xf32, #tpu.memory_space<vmem>> -> memref<72x256xf32, #tpu.memory_space<vmem>>
    %dma_start3A_57 = arith.constant 0 : i32
    %dma_start3A_58 = tpu.memref_slice %arg3[%add3A_45, %dma_start3A_57] : memref<9216x256xf32, #tpu.memory_space<hbm>> -> memref<72x256xf32, #tpu.memory_space<hbm>>
    tpu.enqueue_dma source(%dma_start3A_58 : memref<72x256xf32, #tpu.memory_space<hbm>>) target(%dma_start3A_56 : memref<72x256xf32, #tpu.memory_space<vmem>>) target_semaphore(%arg16 : memref<!tpu.dma_semaphore, #tpu.memory_space<semaphore_mem>>)
    %dma_wait3A = arith.constant 0 : i32
    %dma_wait3A_59 = arith.constant 0 : i32
    %dma_wait3A_60 = arith.constant 0 : i32
    %dma_wait3A_61 = tpu.memref_slice %arg10[%dma_wait3A, %dma_wait3A_59, %dma_wait3A_60] : memref<2x72x256xf32, #tpu.memory_space<vmem>> -> memref<1x72x256xf32, #tpu.memory_space<vmem>>
    %dma_wait3A_62 = tpu.memref_squeeze %dma_wait3A_61 : memref<1x72x256xf32, #tpu.memory_space<vmem>> -> memref<72x256xf32, #tpu.memory_space<vmem>>
    %dma_wait3A_63 = arith.constant 0 : i32
    %dma_wait3A_64 = arith.constant 0 : i32
    %dma_wait3A_65 = tpu.memref_slice %arg2[%dma_wait3A_63, %dma_wait3A_64] : memref<8192x256xf32, #tpu.memory_space<hbm>> -> memref<8192x256xf32, #tpu.memory_space<hbm>>
    tpu.wait_indirect_dma semaphore(%arg13 : memref<!tpu.dma_semaphore, #tpu.memory_space<semaphore_mem>>) src(%dma_wait3A_65 : memref<8192x256xf32, #tpu.memory_space<hbm>>) dst(%dma_wait3A_62 : memref<72x256xf32, #tpu.memory_space<vmem>>)
    %dma_wait3A_66 = arith.constant 0 : i32
    %dma_wait3A_67 = arith.constant 0 : i32
    %dma_wait3A_68 = arith.constant 0 : i32
    %dma_wait3A_69 = tpu.memref_slice %arg11[%dma_wait3A_66, %dma_wait3A_67, %dma_wait3A_68] : memref<2x72x256xf32, #tpu.memory_space<vmem>> -> memref<1x72x256xf32, #tpu.memory_space<vmem>>
    %dma_wait3A_70 = tpu.memref_squeeze %dma_wait3A_69 : memref<1x72x256xf32, #tpu.memory_space<vmem>> -> memref<72x256xf32, #tpu.memory_space<vmem>>
    %dma_wait3A_71 = arith.constant 0 : i32
    %dma_wait3A_72 = tpu.memref_slice %arg3[%add3A_22, %dma_wait3A_71] : memref<9216x256xf32, #tpu.memory_space<hbm>> -> memref<72x256xf32, #tpu.memory_space<hbm>>
    %dma_wait3A_73 = arith.constant 0 : i32
    %dma_wait3A_74 = arith.constant 0 : i32
    %dma_wait3A_75 = tpu.memref_slice %arg11[%dma_wait3A_66, %dma_wait3A_73, %dma_wait3A_74] : memref<2x72x256xf32, #tpu.memory_space<vmem>> -> memref<1x72x256xf32, #tpu.memory_space<vmem>>
    %dma_wait3A_76 = tpu.memref_squeeze %dma_wait3A_75 : memref<1x72x256xf32, #tpu.memory_space<vmem>> -> memref<72x256xf32, #tpu.memory_space<vmem>>
    %dma_wait3A_77 = arith.constant 0 : i32
    %dma_wait3A_78 = tpu.memref_slice %arg3[%add3A_22, %dma_wait3A_77] : memref<9216x256xf32, #tpu.memory_space<hbm>> -> memref<72x256xf32, #tpu.memory_space<hbm>>
    tpu.wait_dma2 semaphore(%arg15 : memref<!tpu.dma_semaphore, #tpu.memory_space<semaphore_mem>>) src(%dma_wait3A_78 : memref<72x256xf32, #tpu.memory_space<hbm>>) dst(%dma_wait3A_76 : memref<72x256xf32, #tpu.memory_space<vmem>>)
    %scan3A = arith.constant 0 : i32
    %scan3A_79 = arith.constant 72 : i32
    %scan3A_80 = arith.addi %scan3A, %scan3A_79 : i32
    %scan3A_81 = arith.constant 1 : i32
    %scan3A_82 = scf.for %scan3A_214 = %scan3A to %scan3A_80 step %scan3A_81 iter_args(%scan3A_215 = %broadcast_in_dim3A_13) -> (vector<16xf32>)  : i32 {
      %get3A = arith.constant 0 : i32
      %get3A_216 = arith.index_cast %get3A : i32 to index
      %get3A_217 = arith.index_cast %scan3A_214 : i32 to index
      %get3A_218 = arith.constant 0 : index
      %get3A_219 = tpu.vector_load %arg11[%get3A_216, %get3A_217, %get3A_218] {strides = array<i32>} : memref<2x72x256xf32, #tpu.memory_space<vmem>>, vector<1x1x16xf32>,
      %get3A_220 = vector.shape_cast %get3A_219 : vector<1x1x16xf32> to vector<16xf32>
      %get3A_221 = arith.constant 0 : i32
      %get3A_222 = arith.index_cast %get3A_221 : i32 to index
      %get3A_223 = arith.index_cast %scan3A_214 : i32 to index
      %get3A_224 = arith.constant 0 : index
      %get3A_225 = tpu.vector_load %arg10[%get3A_222, %get3A_223, %get3A_224] {strides = array<i32>} : memref<2x72x256xf32, #tpu.memory_space<vmem>>, vector<1x1x16xf32>,
      %get3A_226 = vector.shape_cast %get3A_225 : vector<1x1x16xf32> to vector<16xf32>
      %sub3A = arith.subf %get3A_220, %get3A_226 : vector<16xf32>
      %mul3A_227 = arith.mulf %sub3A, %sub3A : vector<16xf32>
      %add3A_228 = arith.addf %scan3A_215, %mul3A_227 : vector<16xf32>
      %get3A_229 = arith.constant 0 : i32
      %get3A_230 = arith.index_cast %get3A_229 : i32 to index
      %get3A_231 = arith.index_cast %scan3A_214 : i32 to index
      %get3A_232 = arith.constant 16 : index
      %get3A_233 = tpu.vector_load %arg11[%get3A_230, %get3A_231, %get3A_232] {strides = array<i32>} : memref<2x72x256xf32, #tpu.memory_space<vmem>>, vector<1x1x16xf32>,
      %get3A_234 = vector.shape_cast %get3A_233 : vector<1x1x16xf32> to vector<16xf32>
      %get3A_235 = arith.constant 0 : i32
      %get3A_236 = arith.index_cast %get3A_235 : i32 to index
      %get3A_237 = arith.index_cast %scan3A_214 : i32 to index
      %get3A_238 = arith.constant 16 : index
      %get3A_239 = tpu.vector_load %arg10[%get3A_236, %get3A_237, %get3A_238] {strides = array<i32>} : memref<2x72x256xf32, #tpu.memory_space<vmem>>, vector<1x1x16xf32>,
      %get3A_240 = vector.shape_cast %get3A_239 : vector<1x1x16xf32> to vector<16xf32>
      %sub3A_241 = arith.subf %get3A_234, %get3A_240 : vector<16xf32>
      %mul3A_242 = arith.mulf %sub3A_241, %sub3A_241 : vector<16xf32>
      %add3A_243 = arith.addf %add3A_228, %mul3A_242 : vector<16xf32>
      %get3A_244 = arith.constant 0 : i32
      %get3A_245 = arith.index_cast %get3A_244 : i32 to index
      %get3A_246 = arith.index_cast %scan3A_214 : i32 to index
      %get3A_247 = arith.constant 32 : index
      %get3A_248 = tpu.vector_load %arg11[%get3A_245, %get3A_246, %get3A_247] {strides = array<i32>} : memref<2x72x256xf32, #tpu.memory_space<vmem>>, vector<1x1x16xf32>,
      %get3A_249 = vector.shape_cast %get3A_248 : vector<1x1x16xf32> to vector<16xf32>
      %get3A_250 = arith.constant 0 : i32
      %get3A_251 = arith.index_cast %get3A_250 : i32 to index
      %get3A_252 = arith.index_cast %scan3A_214 : i32 to index
      %get3A_253 = arith.constant 32 : index
      %get3A_254 = tpu.vector_load %arg10[%get3A_251, %get3A_252, %get3A_253] {strides = array<i32>} : memref<2x72x256xf32, #tpu.memory_space<vmem>>, vector<1x1x16xf32>,
      %get3A_255 = vector.shape_cast %get3A_254 : vector<1x1x16xf32> to vector<16xf32>
      %sub3A_256 = arith.subf %get3A_249, %get3A_255 : vector<16xf32>
      %mul3A_257 = arith.mulf %sub3A_256, %sub3A_256 : vector<16xf32>
      %add3A_258 = arith.addf %add3A_243, %mul3A_257 : vector<16xf32>
      %get3A_259 = arith.constant 0 : i32
      %get3A_260 = arith.index_cast %get3A_259 : i32 to index
      %get3A_261 = arith.index_cast %scan3A_214 : i32 to index
      %get3A_262 = arith.constant 48 : index
      %get3A_263 = tpu.vector_load %arg11[%get3A_260, %get3A_261, %get3A_262] {strides = array<i32>} : memref<2x72x256xf32, #tpu.memory_space<vmem>>, vector<1x1x16xf32>,
      %get3A_264 = vector.shape_cast %get3A_263 : vector<1x1x16xf32> to vector<16xf32>
      %get3A_265 = arith.constant 0 : i32
      %get3A_266 = arith.index_cast %get3A_265 : i32 to index
      %get3A_267 = arith.index_cast %scan3A_214 : i32 to index
      %get3A_268 = arith.constant 48 : index
      %get3A_269 = tpu.vector_load %arg10[%get3A_266, %get3A_267, %get3A_268] {strides = array<i32>} : memref<2x72x256xf32, #tpu.memory_space<vmem>>, vector<1x1x16xf32>,
      %get3A_270 = vector.shape_cast %get3A_269 : vector<1x1x16xf32> to vector<16xf32>
      %sub3A_271 = arith.subf %get3A_264, %get3A_270 : vector<16xf32>
      %mul3A_272 = arith.mulf %sub3A_271, %sub3A_271 : vector<16xf32>
      %add3A_273 = arith.addf %add3A_258, %mul3A_272 : vector<16xf32>
      %get3A_274 = arith.constant 0 : i32
      %get3A_275 = arith.index_cast %get3A_274 : i32 to index
      %get3A_276 = arith.index_cast %scan3A_214 : i32 to index
      %get3A_277 = arith.constant 64 : index
      %get3A_278 = tpu.vector_load %arg11[%get3A_275, %get3A_276, %get3A_277] {strides = array<i32>} : memref<2x72x256xf32, #tpu.memory_space<vmem>>, vector<1x1x16xf32>,
      %get3A_279 = vector.shape_cast %get3A_278 : vector<1x1x16xf32> to vector<16xf32>
      %get3A_280 = arith.constant 0 : i32
      %get3A_281 = arith.index_cast %get3A_280 : i32 to index
      %get3A_282 = arith.index_cast %scan3A_214 : i32 to index
      %get3A_283 = arith.constant 64 : index
      %get3A_284 = tpu.vector_load %arg10[%get3A_281, %get3A_282, %get3A_283] {strides = array<i32>} : memref<2x72x256xf32, #tpu.memory_space<vmem>>, vector<1x1x16xf32>,
      %get3A_285 = vector.shape_cast %get3A_284 : vector<1x1x16xf32> to vector<16xf32>
      %sub3A_286 = arith.subf %get3A_279, %get3A_285 : vector<16xf32>
      %mul3A_287 = arith.mulf %sub3A_286, %sub3A_286 : vector<16xf32>
      %add3A_288 = arith.addf %add3A_273, %mul3A_287 : vector<16xf32>
      %get3A_289 = arith.constant 0 : i32
      %get3A_290 = arith.index_cast %get3A_289 : i32 to index
      %get3A_291 = arith.index_cast %scan3A_214 : i32 to index
      %get3A_292 = arith.constant 80 : index
      %get3A_293 = tpu.vector_load %arg11[%get3A_290, %get3A_291, %get3A_292] {strides = array<i32>} : memref<2x72x256xf32, #tpu.memory_space<vmem>>, vector<1x1x16xf32>,
      %get3A_294 = vector.shape_cast %get3A_293 : vector<1x1x16xf32> to vector<16xf32>
      %get3A_295 = arith.constant 0 : i32
      %get3A_296 = arith.index_cast %get3A_295 : i32 to index
      %get3A_297 = arith.index_cast %scan3A_214 : i32 to index
      %get3A_298 = arith.constant 80 : index
      %get3A_299 = tpu.vector_load %arg10[%get3A_296, %get3A_297, %get3A_298] {strides = array<i32>} : memref<2x72x256xf32, #tpu.memory_space<vmem>>, vector<1x1x16xf32>,
      %get3A_300 = vector.shape_cast %get3A_299 : vector<1x1x16xf32> to vector<16xf32>
      %sub3A_301 = arith.subf %get3A_294, %get3A_300 : vector<16xf32>
      %mul3A_302 = arith.mulf %sub3A_301, %sub3A_301 : vector<16xf32>
      %add3A_303 = arith.addf %add3A_288, %mul3A_302 : vector<16xf32>
      %get3A_304 = arith.constant 0 : i32
      %get3A_305 = arith.index_cast %get3A_304 : i32 to index
      %get3A_306 = arith.index_cast %scan3A_214 : i32 to index
      %get3A_307 = arith.constant 96 : index
      %get3A_308 = tpu.vector_load %arg11[%get3A_305, %get3A_306, %get3A_307] {strides = array<i32>} : memref<2x72x256xf32, #tpu.memory_space<vmem>>, vector<1x1x16xf32>,
      %get3A_309 = vector.shape_cast %get3A_308 : vector<1x1x16xf32> to vector<16xf32>
      %get3A_310 = arith.constant 0 : i32
      %get3A_311 = arith.index_cast %get3A_310 : i32 to index
      %get3A_312 = arith.index_cast %scan3A_214 : i32 to index
      %get3A_313 = arith.constant 96 : index
      %get3A_314 = tpu.vector_load %arg10[%get3A_311, %get3A_312, %get3A_313] {strides = array<i32>} : memref<2x72x256xf32, #tpu.memory_space<vmem>>, vector<1x1x16xf32>,
      %get3A_315 = vector.shape_cast %get3A_314 : vector<1x1x16xf32> to vector<16xf32>
      %sub3A_316 = arith.subf %get3A_309, %get3A_315 : vector<16xf32>
      %mul3A_317 = arith.mulf %sub3A_316, %sub3A_316 : vector<16xf32>
      %add3A_318 = arith.addf %add3A_303, %mul3A_317 : vector<16xf32>
      %get3A_319 = arith.constant 0 : i32
      %get3A_320 = arith.index_cast %get3A_319 : i32 to index
      %get3A_321 = arith.index_cast %scan3A_214 : i32 to index
      %get3A_322 = arith.constant 112 : index
      %get3A_323 = tpu.vector_load %arg11[%get3A_320, %get3A_321, %get3A_322] {strides = array<i32>} : memref<2x72x256xf32, #tpu.memory_space<vmem>>, vector<1x1x16xf32>,
      %get3A_324 = vector.shape_cast %get3A_323 : vector<1x1x16xf32> to vector<16xf32>
      %get3A_325 = arith.constant 0 : i32
      %get3A_326 = arith.index_cast %get3A_325 : i32 to index
      %get3A_327 = arith.index_cast %scan3A_214 : i32 to index
      %get3A_328 = arith.constant 112 : index
      %get3A_329 = tpu.vector_load %arg10[%get3A_326, %get3A_327, %get3A_328] {strides = array<i32>} : memref<2x72x256xf32, #tpu.memory_space<vmem>>, vector<1x1x16xf32>,
      %get3A_330 = vector.shape_cast %get3A_329 : vector<1x1x16xf32> to vector<16xf32>
      %sub3A_331 = arith.subf %get3A_324, %get3A_330 : vector<16xf32>
      %mul3A_332 = arith.mulf %sub3A_331, %sub3A_331 : vector<16xf32>
      %add3A_333 = arith.addf %add3A_318, %mul3A_332 : vector<16xf32>
      %get3A_334 = arith.constant 0 : i32
      %get3A_335 = arith.index_cast %get3A_334 : i32 to index
      %get3A_336 = arith.index_cast %scan3A_214 : i32 to index
      %get3A_337 = arith.constant 128 : index
      %get3A_338 = tpu.vector_load %arg11[%get3A_335, %get3A_336, %get3A_337] {strides = array<i32>} : memref<2x72x256xf32, #tpu.memory_space<vmem>>, vector<1x1x16xf32>,
      %get3A_339 = vector.shape_cast %get3A_338 : vector<1x1x16xf32> to vector<16xf32>
      %get3A_340 = arith.constant 0 : i32
      %get3A_341 = arith.index_cast %get3A_340 : i32 to index
      %get3A_342 = arith.index_cast %scan3A_214 : i32 to index
      %get3A_343 = arith.constant 128 : index
      %get3A_344 = tpu.vector_load %arg10[%get3A_341, %get3A_342, %get3A_343] {strides = array<i32>} : memref<2x72x256xf32, #tpu.memory_space<vmem>>, vector<1x1x16xf32>,
      %get3A_345 = vector.shape_cast %get3A_344 : vector<1x1x16xf32> to vector<16xf32>
      %sub3A_346 = arith.subf %get3A_339, %get3A_345 : vector<16xf32>
      %mul3A_347 = arith.mulf %sub3A_346, %sub3A_346 : vector<16xf32>
      %add3A_348 = arith.addf %add3A_333, %mul3A_347 : vector<16xf32>
      %get3A_349 = arith.constant 0 : i32
      %get3A_350 = arith.index_cast %get3A_349 : i32 to index
      %get3A_351 = arith.index_cast %scan3A_214 : i32 to index
      %get3A_352 = arith.constant 144 : index
      %get3A_353 = tpu.vector_load %arg11[%get3A_350, %get3A_351, %get3A_352] {strides = array<i32>} : memref<2x72x256xf32, #tpu.memory_space<vmem>>, vector<1x1x16xf32>,
      %get3A_354 = vector.shape_cast %get3A_353 : vector<1x1x16xf32> to vector<16xf32>
      %get3A_355 = arith.constant 0 : i32
      %get3A_356 = arith.index_cast %get3A_355 : i32 to index
      %get3A_357 = arith.index_cast %scan3A_214 : i32 to index
      %get3A_358 = arith.constant 144 : index
      %get3A_359 = tpu.vector_load %arg10[%get3A_356, %get3A_357, %get3A_358] {strides = array<i32>} : memref<2x72x256xf32, #tpu.memory_space<vmem>>, vector<1x1x16xf32>,
      %get3A_360 = vector.shape_cast %get3A_359 : vector<1x1x16xf32> to vector<16xf32>
      %sub3A_361 = arith.subf %get3A_354, %get3A_360 : vector<16xf32>
      %mul3A_362 = arith.mulf %sub3A_361, %sub3A_361 : vector<16xf32>
      %add3A_363 = arith.addf %add3A_348, %mul3A_362 : vector<16xf32>
      %get3A_364 = arith.constant 0 : i32
      %get3A_365 = arith.index_cast %get3A_364 : i32 to index
      %get3A_366 = arith.index_cast %scan3A_214 : i32 to index
      %get3A_367 = arith.constant 160 : index
      %get3A_368 = tpu.vector_load %arg11[%get3A_365, %get3A_366, %get3A_367] {strides = array<i32>} : memref<2x72x256xf32, #tpu.memory_space<vmem>>, vector<1x1x16xf32>,
      %get3A_369 = vector.shape_cast %get3A_368 : vector<1x1x16xf32> to vector<16xf32>
      %get3A_370 = arith.constant 0 : i32
      %get3A_371 = arith.index_cast %get3A_370 : i32 to index
      %get3A_372 = arith.index_cast %scan3A_214 : i32 to index
      %get3A_373 = arith.constant 160 : index
      %get3A_374 = tpu.vector_load %arg10[%get3A_371, %get3A_372, %get3A_373] {strides = array<i32>} : memref<2x72x256xf32, #tpu.memory_space<vmem>>, vector<1x1x16xf32>,
      %get3A_375 = vector.shape_cast %get3A_374 : vector<1x1x16xf32> to vector<16xf32>
      %sub3A_376 = arith.subf %get3A_369, %get3A_375 : vector<16xf32>
      %mul3A_377 = arith.mulf %sub3A_376, %sub3A_376 : vector<16xf32>
      %add3A_378 = arith.addf %add3A_363, %mul3A_377 : vector<16xf32>
      %get3A_379 = arith.constant 0 : i32
      %get3A_380 = arith.index_cast %get3A_379 : i32 to index
      %get3A_381 = arith.index_cast %scan3A_214 : i32 to index
      %get3A_382 = arith.constant 176 : index
      %get3A_383 = tpu.vector_load %arg11[%get3A_380, %get3A_381, %get3A_382] {strides = array<i32>} : memref<2x72x256xf32, #tpu.memory_space<vmem>>, vector<1x1x16xf32>,
      %get3A_384 = vector.shape_cast %get3A_383 : vector<1x1x16xf32> to vector<16xf32>
      %get3A_385 = arith.constant 0 : i32
      %get3A_386 = arith.index_cast %get3A_385 : i32 to index
      %get3A_387 = arith.index_cast %scan3A_214 : i32 to index
      %get3A_388 = arith.constant 176 : index
      %get3A_389 = tpu.vector_load %arg10[%get3A_386, %get3A_387, %get3A_388] {strides = array<i32>} : memref<2x72x256xf32, #tpu.memory_space<vmem>>, vector<1x1x16xf32>,
      %get3A_390 = vector.shape_cast %get3A_389 : vector<1x1x16xf32> to vector<16xf32>
      %sub3A_391 = arith.subf %get3A_384, %get3A_390 : vector<16xf32>
      %mul3A_392 = arith.mulf %sub3A_391, %sub3A_391 : vector<16xf32>
      %add3A_393 = arith.addf %add3A_378, %mul3A_392 : vector<16xf32>
      %get3A_394 = arith.constant 0 : i32
      %get3A_395 = arith.index_cast %get3A_394 : i32 to index
      %get3A_396 = arith.index_cast %scan3A_214 : i32 to index
      %get3A_397 = arith.constant 192 : index
      %get3A_398 = tpu.vector_load %arg11[%get3A_395, %get3A_396, %get3A_397] {strides = array<i32>} : memref<2x72x256xf32, #tpu.memory_space<vmem>>, vector<1x1x16xf32>,
      %get3A_399 = vector.shape_cast %get3A_398 : vector<1x1x16xf32> to vector<16xf32>
      %get3A_400 = arith.constant 0 : i32
      %get3A_401 = arith.index_cast %get3A_400 : i32 to index
      %get3A_402 = arith.index_cast %scan3A_214 : i32 to index
      %get3A_403 = arith.constant 192 : index
      %get3A_404 = tpu.vector_load %arg10[%get3A_401, %get3A_402, %get3A_403] {strides = array<i32>} : memref<2x72x256xf32, #tpu.memory_space<vmem>>, vector<1x1x16xf32>,
      %get3A_405 = vector.shape_cast %get3A_404 : vector<1x1x16xf32> to vector<16xf32>
      %sub3A_406 = arith.subf %get3A_399, %get3A_405 : vector<16xf32>
      %mul3A_407 = arith.mulf %sub3A_406, %sub3A_406 : vector<16xf32>
      %add3A_408 = arith.addf %add3A_393, %mul3A_407 : vector<16xf32>
      %get3A_409 = arith.constant 0 : i32
      %get3A_410 = arith.index_cast %get3A_409 : i32 to index
      %get3A_411 = arith.index_cast %scan3A_214 : i32 to index
      %get3A_412 = arith.constant 208 : index
      %get3A_413 = tpu.vector_load %arg11[%get3A_410, %get3A_411, %get3A_412] {strides = array<i32>} : memref<2x72x256xf32, #tpu.memory_space<vmem>>, vector<1x1x16xf32>,
      %get3A_414 = vector.shape_cast %get3A_413 : vector<1x1x16xf32> to vector<16xf32>
      %get3A_415 = arith.constant 0 : i32
      %get3A_416 = arith.index_cast %get3A_415 : i32 to index
      %get3A_417 = arith.index_cast %scan3A_214 : i32 to index
      %get3A_418 = arith.constant 208 : index
      %get3A_419 = tpu.vector_load %arg10[%get3A_416, %get3A_417, %get3A_418] {strides = array<i32>} : memref<2x72x256xf32, #tpu.memory_space<vmem>>, vector<1x1x16xf32>,
      %get3A_420 = vector.shape_cast %get3A_419 : vector<1x1x16xf32> to vector<16xf32>
      %sub3A_421 = arith.subf %get3A_414, %get3A_420 : vector<16xf32>
      %mul3A_422 = arith.mulf %sub3A_421, %sub3A_421 : vector<16xf32>
      %add3A_423 = arith.addf %add3A_408, %mul3A_422 : vector<16xf32>
      %get3A_424 = arith.constant 0 : i32
      %get3A_425 = arith.index_cast %get3A_424 : i32 to index
      %get3A_426 = arith.index_cast %scan3A_214 : i32 to index
      %get3A_427 = arith.constant 224 : index
      %get3A_428 = tpu.vector_load %arg11[%get3A_425, %get3A_426, %get3A_427] {strides = array<i32>} : memref<2x72x256xf32, #tpu.memory_space<vmem>>, vector<1x1x16xf32>,
      %get3A_429 = vector.shape_cast %get3A_428 : vector<1x1x16xf32> to vector<16xf32>
      %get3A_430 = arith.constant 0 : i32
      %get3A_431 = arith.index_cast %get3A_430 : i32 to index
      %get3A_432 = arith.index_cast %scan3A_214 : i32 to index
      %get3A_433 = arith.constant 224 : index
      %get3A_434 = tpu.vector_load %arg10[%get3A_431, %get3A_432, %get3A_433] {strides = array<i32>} : memref<2x72x256xf32, #tpu.memory_space<vmem>>, vector<1x1x16xf32>,
      %get3A_435 = vector.shape_cast %get3A_434 : vector<1x1x16xf32> to vector<16xf32>
      %sub3A_436 = arith.subf %get3A_429, %get3A_435 : vector<16xf32>
      %mul3A_437 = arith.mulf %sub3A_436, %sub3A_436 : vector<16xf32>
      %add3A_438 = arith.addf %add3A_423, %mul3A_437 : vector<16xf32>
      %get3A_439 = arith.constant 0 : i32
      %get3A_440 = arith.index_cast %get3A_439 : i32 to index
      %get3A_441 = arith.index_cast %scan3A_214 : i32 to index
      %get3A_442 = arith.constant 240 : index
      %get3A_443 = tpu.vector_load %arg11[%get3A_440, %get3A_441, %get3A_442] {strides = array<i32>} : memref<2x72x256xf32, #tpu.memory_space<vmem>>, vector<1x1x16xf32>,
      %get3A_444 = vector.shape_cast %get3A_443 : vector<1x1x16xf32> to vector<16xf32>
      %get3A_445 = arith.constant 0 : i32
      %get3A_446 = arith.index_cast %get3A_445 : i32 to index
      %get3A_447 = arith.index_cast %scan3A_214 : i32 to index
      %get3A_448 = arith.constant 240 : index
      %get3A_449 = tpu.vector_load %arg10[%get3A_446, %get3A_447, %get3A_448] {strides = array<i32>} : memref<2x72x256xf32, #tpu.memory_space<vmem>>, vector<1x1x16xf32>,
      %get3A_450 = vector.shape_cast %get3A_449 : vector<1x1x16xf32> to vector<16xf32>
      %sub3A_451 = arith.subf %get3A_444, %get3A_450 : vector<16xf32>
      %mul3A_452 = arith.mulf %sub3A_451, %sub3A_451 : vector<16xf32>
      %add3A_453 = arith.addf %add3A_438, %mul3A_452 : vector<16xf32>
      scf.yield %add3A_453 : vector<16xf32>
    }
    %scan3A_83 = arith.constant 72 : i32
    %dma_start3A_84 = arith.constant 0 : i32
    %dma_start3A_85 = arith.constant 0 : i32
    %dma_start3A_86 = arith.constant 0 : i32
    %dma_start3A_87 = tpu.memref_slice %arg10[%dma_start3A_84, %dma_start3A_85, %dma_start3A_86] : memref<2x72x256xf32, #tpu.memory_space<vmem>> -> memref<1x72x256xf32, #tpu.memory_space<vmem>>
    %dma_start3A_88 = tpu.memref_squeeze %dma_start3A_87 : memref<1x72x256xf32, #tpu.memory_space<vmem>> -> memref<72x256xf32, #tpu.memory_space<vmem>>
    %dma_start3A_89 = arith.constant 0 : i32
    %dma_start3A_90 = arith.constant 0 : i32
    %dma_start3A_91 = tpu.memref_slice %arg2[%dma_start3A_89, %dma_start3A_90] : memref<8192x256xf32, #tpu.memory_space<hbm>> -> memref<8192x256xf32, #tpu.memory_space<hbm>>
    tpu.enqueue_indirect_dma source(%dma_start3A_91 : memref<8192x256xf32, #tpu.memory_space<hbm>>) target(%dma_start3A_88 : memref<72x256xf32, #tpu.memory_space<vmem>>) offsets(%arg8 : memref<72xi32, #tpu.memory_space<vmem>>) semaphore(%arg13 : memref<!tpu.dma_semaphore, #tpu.memory_space<semaphore_mem>>)
    %add3A_92 = arith.constant 144 : i32
    %add3A_93 = arith.addi %mul3A_4, %add3A_92 : i32
    %dma_start3A_94 = arith.constant 0 : i32
    %dma_start3A_95 = arith.constant 0 : i32
    %dma_start3A_96 = arith.constant 0 : i32
    %dma_start3A_97 = tpu.memref_slice %arg11[%dma_start3A_94, %dma_start3A_95, %dma_start3A_96] : memref<2x72x256xf32, #tpu.memory_space<vmem>> -> memref<1x72x256xf32, #tpu.memory_space<vmem>>
    %dma_start3A_98 = tpu.memref_squeeze %dma_start3A_97 : memref<1x72x256xf32, #tpu.memory_space<vmem>> -> memref<72x256xf32, #tpu.memory_space<vmem>>
    %dma_start3A_99 = arith.constant 0 : i32
    %dma_start3A_100 = tpu.memref_slice %arg3[%add3A_93, %dma_start3A_99] : memref<9216x256xf32, #tpu.memory_space<hbm>> -> memref<72x256xf32, #tpu.memory_space<hbm>>
    %dma_start3A_101 = arith.constant 0 : i32
    %dma_start3A_102 = arith.constant 0 : i32
    %dma_start3A_103 = tpu.memref_slice %arg11[%dma_start3A_94, %dma_start3A_101, %dma_start3A_102] : memref<2x72x256xf32, #tpu.memory_space<vmem>> -> memref<1x72x256xf32, #tpu.memory_space<vmem>>
    %dma_start3A_104 = tpu.memref_squeeze %dma_start3A_103 : memref<1x72x256xf32, #tpu.memory_space<vmem>> -> memref<72x256xf32, #tpu.memory_space<vmem>>
    %dma_start3A_105 = arith.constant 0 : i32
    %dma_start3A_106 = tpu.memref_slice %arg3[%add3A_93, %dma_start3A_105] : memref<9216x256xf32, #tpu.memory_space<hbm>> -> memref<72x256xf32, #tpu.memory_space<hbm>>
    tpu.enqueue_dma source(%dma_start3A_106 : memref<72x256xf32, #tpu.memory_space<hbm>>) target(%dma_start3A_104 : memref<72x256xf32, #tpu.memory_space<vmem>>) target_semaphore(%arg15 : memref<!tpu.dma_semaphore, #tpu.memory_space<semaphore_mem>>)
    %dma_wait3A_107 = arith.constant 1 : i32
    %dma_wait3A_108 = arith.constant 0 : i32
    %dma_wait3A_109 = arith.constant 0 : i32
    %dma_wait3A_110 = tpu.memref_slice %arg10[%dma_wait3A_107, %dma_wait3A_108, %dma_wait3A_109] : memref<2x72x256xf32, #tpu.memory_space<vmem>> -> memref<1x72x256xf32, #tpu.memory_space<vmem>>
    %dma_wait3A_111 = tpu.memref_squeeze %dma_wait3A_110 : memref<1x72x256xf32, #tpu.memory_space<vmem>> -> memref<72x256xf32, #tpu.memory_space<vmem>>
    %dma_wait3A_112 = arith.constant 0 : i32
    %dma_wait3A_113 = arith.constant 0 : i32
    %dma_wait3A_114 = tpu.memref_slice %arg2[%dma_wait3A_112, %dma_wait3A_113] : memref<8192x256xf32, #tpu.memory_space<hbm>> -> memref<8192x256xf32, #tpu.memory_space<hbm>>
    tpu.wait_indirect_dma semaphore(%arg14 : memref<!tpu.dma_semaphore, #tpu.memory_space<semaphore_mem>>) src(%dma_wait3A_114 : memref<8192x256xf32, #tpu.memory_space<hbm>>) dst(%dma_wait3A_111 : memref<72x256xf32, #tpu.memory_space<vmem>>)
    %dma_wait3A_115 = arith.constant 1 : i32
    %dma_wait3A_116 = arith.constant 0 : i32
    %dma_wait3A_117 = arith.constant 0 : i32
    %dma_wait3A_118 = tpu.memref_slice %arg11[%dma_wait3A_115, %dma_wait3A_116, %dma_wait3A_117] : memref<2x72x256xf32, #tpu.memory_space<vmem>> -> memref<1x72x256xf32, #tpu.memory_space<vmem>>
    %dma_wait3A_119 = tpu.memref_squeeze %dma_wait3A_118 : memref<1x72x256xf32, #tpu.memory_space<vmem>> -> memref<72x256xf32, #tpu.memory_space<vmem>>
    %dma_wait3A_120 = arith.constant 0 : i32
    %dma_wait3A_121 = tpu.memref_slice %arg3[%add3A_45, %dma_wait3A_120] : memref<9216x256xf32, #tpu.memory_space<hbm>> -> memref<72x256xf32, #tpu.memory_space<hbm>>
    %dma_wait3A_122 = arith.constant 0 : i32
    %dma_wait3A_123 = arith.constant 0 : i32
    %dma_wait3A_124 = tpu.memref_slice %arg11[%dma_wait3A_115, %dma_wait3A_122, %dma_wait3A_123] : memref<2x72x256xf32, #tpu.memory_space<vmem>> -> memref<1x72x256xf32, #tpu.memory_space<vmem>>
    %dma_wait3A_125 = tpu.memref_squeeze %dma_wait3A_124 : memref<1x72x256xf32, #tpu.memory_space<vmem>> -> memref<72x256xf32, #tpu.memory_space<vmem>>
    %dma_wait3A_126 = arith.constant 0 : i32
    %dma_wait3A_127 = tpu.memref_slice %arg3[%add3A_45, %dma_wait3A_126] : memref<9216x256xf32, #tpu.memory_space<hbm>> -> memref<72x256xf32, #tpu.memory_space<hbm>>
    tpu.wait_dma2 semaphore(%arg16 : memref<!tpu.dma_semaphore, #tpu.memory_space<semaphore_mem>>) src(%dma_wait3A_127 : memref<72x256xf32, #tpu.memory_space<hbm>>) dst(%dma_wait3A_125 : memref<72x256xf32, #tpu.memory_space<vmem>>)
    %scan3A_128 = arith.constant 0 : i32
    %scan3A_129 = arith.constant 72 : i32
    %scan3A_130 = arith.addi %scan3A_128, %scan3A_129 : i32
    %scan3A_131 = arith.constant 1 : i32
    %scan3A_132 = scf.for %scan3A_214 = %scan3A_128 to %scan3A_130 step %scan3A_131 iter_args(%scan3A_215 = %scan3A_82) -> (vector<16xf32>)  : i32 {
      %get3A = arith.constant 1 : i32
      %get3A_216 = arith.index_cast %get3A : i32 to index
      %get3A_217 = arith.index_cast %scan3A_214 : i32 to index
      %get3A_218 = arith.constant 0 : index
      %get3A_219 = tpu.vector_load %arg11[%get3A_216, %get3A_217, %get3A_218] {strides = array<i32>} : memref<2x72x256xf32, #tpu.memory_space<vmem>>, vector<1x1x16xf32>,
      %get3A_220 = vector.shape_cast %get3A_219 : vector<1x1x16xf32> to vector<16xf32>
      %get3A_221 = arith.constant 1 : i32
      %get3A_222 = arith.index_cast %get3A_221 : i32 to index
      %get3A_223 = arith.index_cast %scan3A_214 : i32 to index
      %get3A_224 = arith.constant 0 : index
      %get3A_225 = tpu.vector_load %arg10[%get3A_222, %get3A_223, %get3A_224] {strides = array<i32>} : memref<2x72x256xf32, #tpu.memory_space<vmem>>, vector<1x1x16xf32>,
      %get3A_226 = vector.shape_cast %get3A_225 : vector<1x1x16xf32> to vector<16xf32>
      %sub3A = arith.subf %get3A_220, %get3A_226 : vector<16xf32>
      %mul3A_227 = arith.mulf %sub3A, %sub3A : vector<16xf32>
      %add3A_228 = arith.addf %scan3A_215, %mul3A_227 : vector<16xf32>
      %get3A_229 = arith.constant 1 : i32
      %get3A_230 = arith.index_cast %get3A_229 : i32 to index
      %get3A_231 = arith.index_cast %scan3A_214 : i32 to index
      %get3A_232 = arith.constant 16 : index
      %get3A_233 = tpu.vector_load %arg11[%get3A_230, %get3A_231, %get3A_232] {strides = array<i32>} : memref<2x72x256xf32, #tpu.memory_space<vmem>>, vector<1x1x16xf32>,
      %get3A_234 = vector.shape_cast %get3A_233 : vector<1x1x16xf32> to vector<16xf32>
      %get3A_235 = arith.constant 1 : i32
      %get3A_236 = arith.index_cast %get3A_235 : i32 to index
      %get3A_237 = arith.index_cast %scan3A_214 : i32 to index
      %get3A_238 = arith.constant 16 : index
      %get3A_239 = tpu.vector_load %arg10[%get3A_236, %get3A_237, %get3A_238] {strides = array<i32>} : memref<2x72x256xf32, #tpu.memory_space<vmem>>, vector<1x1x16xf32>,
      %get3A_240 = vector.shape_cast %get3A_239 : vector<1x1x16xf32> to vector<16xf32>
      %sub3A_241 = arith.subf %get3A_234, %get3A_240 : vector<16xf32>
      %mul3A_242 = arith.mulf %sub3A_241, %sub3A_241 : vector<16xf32>
      %add3A_243 = arith.addf %add3A_228, %mul3A_242 : vector<16xf32>
      %get3A_244 = arith.constant 1 : i32
      %get3A_245 = arith.index_cast %get3A_244 : i32 to index
      %get3A_246 = arith.index_cast %scan3A_214 : i32 to index
      %get3A_247 = arith.constant 32 : index
      %get3A_248 = tpu.vector_load %arg11[%get3A_245, %get3A_246, %get3A_247] {strides = array<i32>} : memref<2x72x256xf32, #tpu.memory_space<vmem>>, vector<1x1x16xf32>,
      %get3A_249 = vector.shape_cast %get3A_248 : vector<1x1x16xf32> to vector<16xf32>
      %get3A_250 = arith.constant 1 : i32
      %get3A_251 = arith.index_cast %get3A_250 : i32 to index
      %get3A_252 = arith.index_cast %scan3A_214 : i32 to index
      %get3A_253 = arith.constant 32 : index
      %get3A_254 = tpu.vector_load %arg10[%get3A_251, %get3A_252, %get3A_253] {strides = array<i32>} : memref<2x72x256xf32, #tpu.memory_space<vmem>>, vector<1x1x16xf32>,
      %get3A_255 = vector.shape_cast %get3A_254 : vector<1x1x16xf32> to vector<16xf32>
      %sub3A_256 = arith.subf %get3A_249, %get3A_255 : vector<16xf32>
      %mul3A_257 = arith.mulf %sub3A_256, %sub3A_256 : vector<16xf32>
      %add3A_258 = arith.addf %add3A_243, %mul3A_257 : vector<16xf32>
      %get3A_259 = arith.constant 1 : i32
      %get3A_260 = arith.index_cast %get3A_259 : i32 to index
      %get3A_261 = arith.index_cast %scan3A_214 : i32 to index
      %get3A_262 = arith.constant 48 : index
      %get3A_263 = tpu.vector_load %arg11[%get3A_260, %get3A_261, %get3A_262] {strides = array<i32>} : memref<2x72x256xf32, #tpu.memory_space<vmem>>, vector<1x1x16xf32>,
      %get3A_264 = vector.shape_cast %get3A_263 : vector<1x1x16xf32> to vector<16xf32>
      %get3A_265 = arith.constant 1 : i32
      %get3A_266 = arith.index_cast %get3A_265 : i32 to index
      %get3A_267 = arith.index_cast %scan3A_214 : i32 to index
      %get3A_268 = arith.constant 48 : index
      %get3A_269 = tpu.vector_load %arg10[%get3A_266, %get3A_267, %get3A_268] {strides = array<i32>} : memref<2x72x256xf32, #tpu.memory_space<vmem>>, vector<1x1x16xf32>,
      %get3A_270 = vector.shape_cast %get3A_269 : vector<1x1x16xf32> to vector<16xf32>
      %sub3A_271 = arith.subf %get3A_264, %get3A_270 : vector<16xf32>
      %mul3A_272 = arith.mulf %sub3A_271, %sub3A_271 : vector<16xf32>
      %add3A_273 = arith.addf %add3A_258, %mul3A_272 : vector<16xf32>
      %get3A_274 = arith.constant 1 : i32
      %get3A_275 = arith.index_cast %get3A_274 : i32 to index
      %get3A_276 = arith.index_cast %scan3A_214 : i32 to index
      %get3A_277 = arith.constant 64 : index
      %get3A_278 = tpu.vector_load %arg11[%get3A_275, %get3A_276, %get3A_277] {strides = array<i32>} : memref<2x72x256xf32, #tpu.memory_space<vmem>>, vector<1x1x16xf32>,
      %get3A_279 = vector.shape_cast %get3A_278 : vector<1x1x16xf32> to vector<16xf32>
      %get3A_280 = arith.constant 1 : i32
      %get3A_281 = arith.index_cast %get3A_280 : i32 to index
      %get3A_282 = arith.index_cast %scan3A_214 : i32 to index
      %get3A_283 = arith.constant 64 : index
      %get3A_284 = tpu.vector_load %arg10[%get3A_281, %get3A_282, %get3A_283] {strides = array<i32>} : memref<2x72x256xf32, #tpu.memory_space<vmem>>, vector<1x1x16xf32>,
      %get3A_285 = vector.shape_cast %get3A_284 : vector<1x1x16xf32> to vector<16xf32>
      %sub3A_286 = arith.subf %get3A_279, %get3A_285 : vector<16xf32>
      %mul3A_287 = arith.mulf %sub3A_286, %sub3A_286 : vector<16xf32>
      %add3A_288 = arith.addf %add3A_273, %mul3A_287 : vector<16xf32>
      %get3A_289 = arith.constant 1 : i32
      %get3A_290 = arith.index_cast %get3A_289 : i32 to index
      %get3A_291 = arith.index_cast %scan3A_214 : i32 to index
      %get3A_292 = arith.constant 80 : index
      %get3A_293 = tpu.vector_load %arg11[%get3A_290, %get3A_291, %get3A_292] {strides = array<i32>} : memref<2x72x256xf32, #tpu.memory_space<vmem>>, vector<1x1x16xf32>,
      %get3A_294 = vector.shape_cast %get3A_293 : vector<1x1x16xf32> to vector<16xf32>
      %get3A_295 = arith.constant 1 : i32
      %get3A_296 = arith.index_cast %get3A_295 : i32 to index
      %get3A_297 = arith.index_cast %scan3A_214 : i32 to index
      %get3A_298 = arith.constant 80 : index
      %get3A_299 = tpu.vector_load %arg10[%get3A_296, %get3A_297, %get3A_298] {strides = array<i32>} : memref<2x72x256xf32, #tpu.memory_space<vmem>>, vector<1x1x16xf32>,
      %get3A_300 = vector.shape_cast %get3A_299 : vector<1x1x16xf32> to vector<16xf32>
      %sub3A_301 = arith.subf %get3A_294, %get3A_300 : vector<16xf32>
      %mul3A_302 = arith.mulf %sub3A_301, %sub3A_301 : vector<16xf32>
      %add3A_303 = arith.addf %add3A_288, %mul3A_302 : vector<16xf32>
      %get3A_304 = arith.constant 1 : i32
      %get3A_305 = arith.index_cast %get3A_304 : i32 to index
      %get3A_306 = arith.index_cast %scan3A_214 : i32 to index
      %get3A_307 = arith.constant 96 : index
      %get3A_308 = tpu.vector_load %arg11[%get3A_305, %get3A_306, %get3A_307] {strides = array<i32>} : memref<2x72x256xf32, #tpu.memory_space<vmem>>, vector<1x1x16xf32>,
      %get3A_309 = vector.shape_cast %get3A_308 : vector<1x1x16xf32> to vector<16xf32>
      %get3A_310 = arith.constant 1 : i32
      %get3A_311 = arith.index_cast %get3A_310 : i32 to index
      %get3A_312 = arith.index_cast %scan3A_214 : i32 to index
      %get3A_313 = arith.constant 96 : index
      %get3A_314 = tpu.vector_load %arg10[%get3A_311, %get3A_312, %get3A_313] {strides = array<i32>} : memref<2x72x256xf32, #tpu.memory_space<vmem>>, vector<1x1x16xf32>,
      %get3A_315 = vector.shape_cast %get3A_314 : vector<1x1x16xf32> to vector<16xf32>
      %sub3A_316 = arith.subf %get3A_309, %get3A_315 : vector<16xf32>
      %mul3A_317 = arith.mulf %sub3A_316, %sub3A_316 : vector<16xf32>
      %add3A_318 = arith.addf %add3A_303, %mul3A_317 : vector<16xf32>
      %get3A_319 = arith.constant 1 : i32
      %get3A_320 = arith.index_cast %get3A_319 : i32 to index
      %get3A_321 = arith.index_cast %scan3A_214 : i32 to index
      %get3A_322 = arith.constant 112 : index
      %get3A_323 = tpu.vector_load %arg11[%get3A_320, %get3A_321, %get3A_322] {strides = array<i32>} : memref<2x72x256xf32, #tpu.memory_space<vmem>>, vector<1x1x16xf32>,
      %get3A_324 = vector.shape_cast %get3A_323 : vector<1x1x16xf32> to vector<16xf32>
      %get3A_325 = arith.constant 1 : i32
      %get3A_326 = arith.index_cast %get3A_325 : i32 to index
      %get3A_327 = arith.index_cast %scan3A_214 : i32 to index
      %get3A_328 = arith.constant 112 : index
      %get3A_329 = tpu.vector_load %arg10[%get3A_326, %get3A_327, %get3A_328] {strides = array<i32>} : memref<2x72x256xf32, #tpu.memory_space<vmem>>, vector<1x1x16xf32>,
      %get3A_330 = vector.shape_cast %get3A_329 : vector<1x1x16xf32> to vector<16xf32>
      %sub3A_331 = arith.subf %get3A_324, %get3A_330 : vector<16xf32>
      %mul3A_332 = arith.mulf %sub3A_331, %sub3A_331 : vector<16xf32>
      %add3A_333 = arith.addf %add3A_318, %mul3A_332 : vector<16xf32>
      %get3A_334 = arith.constant 1 : i32
      %get3A_335 = arith.index_cast %get3A_334 : i32 to index
      %get3A_336 = arith.index_cast %scan3A_214 : i32 to index
      %get3A_337 = arith.constant 128 : index
      %get3A_338 = tpu.vector_load %arg11[%get3A_335, %get3A_336, %get3A_337] {strides = array<i32>} : memref<2x72x256xf32, #tpu.memory_space<vmem>>, vector<1x1x16xf32>,
      %get3A_339 = vector.shape_cast %get3A_338 : vector<1x1x16xf32> to vector<16xf32>
      %get3A_340 = arith.constant 1 : i32
      %get3A_341 = arith.index_cast %get3A_340 : i32 to index
      %get3A_342 = arith.index_cast %scan3A_214 : i32 to index
      %get3A_343 = arith.constant 128 : index
      %get3A_344 = tpu.vector_load %arg10[%get3A_341, %get3A_342, %get3A_343] {strides = array<i32>} : memref<2x72x256xf32, #tpu.memory_space<vmem>>, vector<1x1x16xf32>,
      %get3A_345 = vector.shape_cast %get3A_344 : vector<1x1x16xf32> to vector<16xf32>
      %sub3A_346 = arith.subf %get3A_339, %get3A_345 : vector<16xf32>
      %mul3A_347 = arith.mulf %sub3A_346, %sub3A_346 : vector<16xf32>
      %add3A_348 = arith.addf %add3A_333, %mul3A_347 : vector<16xf32>
      %get3A_349 = arith.constant 1 : i32
      %get3A_350 = arith.index_cast %get3A_349 : i32 to index
      %get3A_351 = arith.index_cast %scan3A_214 : i32 to index
      %get3A_352 = arith.constant 144 : index
      %get3A_353 = tpu.vector_load %arg11[%get3A_350, %get3A_351, %get3A_352] {strides = array<i32>} : memref<2x72x256xf32, #tpu.memory_space<vmem>>, vector<1x1x16xf32>,
      %get3A_354 = vector.shape_cast %get3A_353 : vector<1x1x16xf32> to vector<16xf32>
      %get3A_355 = arith.constant 1 : i32
      %get3A_356 = arith.index_cast %get3A_355 : i32 to index
      %get3A_357 = arith.index_cast %scan3A_214 : i32 to index
      %get3A_358 = arith.constant 144 : index
      %get3A_359 = tpu.vector_load %arg10[%get3A_356, %get3A_357, %get3A_358] {strides = array<i32>} : memref<2x72x256xf32, #tpu.memory_space<vmem>>, vector<1x1x16xf32>,
      %get3A_360 = vector.shape_cast %get3A_359 : vector<1x1x16xf32> to vector<16xf32>
      %sub3A_361 = arith.subf %get3A_354, %get3A_360 : vector<16xf32>
      %mul3A_362 = arith.mulf %sub3A_361, %sub3A_361 : vector<16xf32>
      %add3A_363 = arith.addf %add3A_348, %mul3A_362 : vector<16xf32>
      %get3A_364 = arith.constant 1 : i32
      %get3A_365 = arith.index_cast %get3A_364 : i32 to index
      %get3A_366 = arith.index_cast %scan3A_214 : i32 to index
      %get3A_367 = arith.constant 160 : index
      %get3A_368 = tpu.vector_load %arg11[%get3A_365, %get3A_366, %get3A_367] {strides = array<i32>} : memref<2x72x256xf32, #tpu.memory_space<vmem>>, vector<1x1x16xf32>,
      %get3A_369 = vector.shape_cast %get3A_368 : vector<1x1x16xf32> to vector<16xf32>
      %get3A_370 = arith.constant 1 : i32
      %get3A_371 = arith.index_cast %get3A_370 : i32 to index
      %get3A_372 = arith.index_cast %scan3A_214 : i32 to index
      %get3A_373 = arith.constant 160 : index
      %get3A_374 = tpu.vector_load %arg10[%get3A_371, %get3A_372, %get3A_373] {strides = array<i32>} : memref<2x72x256xf32, #tpu.memory_space<vmem>>, vector<1x1x16xf32>,
      %get3A_375 = vector.shape_cast %get3A_374 : vector<1x1x16xf32> to vector<16xf32>
      %sub3A_376 = arith.subf %get3A_369, %get3A_375 : vector<16xf32>
      %mul3A_377 = arith.mulf %sub3A_376, %sub3A_376 : vector<16xf32>
      %add3A_378 = arith.addf %add3A_363, %mul3A_377 : vector<16xf32>
      %get3A_379 = arith.constant 1 : i32
      %get3A_380 = arith.index_cast %get3A_379 : i32 to index
      %get3A_381 = arith.index_cast %scan3A_214 : i32 to index
      %get3A_382 = arith.constant 176 : index
      %get3A_383 = tpu.vector_load %arg11[%get3A_380, %get3A_381, %get3A_382] {strides = array<i32>} : memref<2x72x256xf32, #tpu.memory_space<vmem>>, vector<1x1x16xf32>,
      %get3A_384 = vector.shape_cast %get3A_383 : vector<1x1x16xf32> to vector<16xf32>
      %get3A_385 = arith.constant 1 : i32
      %get3A_386 = arith.index_cast %get3A_385 : i32 to index
      %get3A_387 = arith.index_cast %scan3A_214 : i32 to index
      %get3A_388 = arith.constant 176 : index
      %get3A_389 = tpu.vector_load %arg10[%get3A_386, %get3A_387, %get3A_388] {strides = array<i32>} : memref<2x72x256xf32, #tpu.memory_space<vmem>>, vector<1x1x16xf32>,
      %get3A_390 = vector.shape_cast %get3A_389 : vector<1x1x16xf32> to vector<16xf32>
      %sub3A_391 = arith.subf %get3A_384, %get3A_390 : vector<16xf32>
      %mul3A_392 = arith.mulf %sub3A_391, %sub3A_391 : vector<16xf32>
      %add3A_393 = arith.addf %add3A_378, %mul3A_392 : vector<16xf32>
      %get3A_394 = arith.constant 1 : i32
      %get3A_395 = arith.index_cast %get3A_394 : i32 to index
      %get3A_396 = arith.index_cast %scan3A_214 : i32 to index
      %get3A_397 = arith.constant 192 : index
      %get3A_398 = tpu.vector_load %arg11[%get3A_395, %get3A_396, %get3A_397] {strides = array<i32>} : memref<2x72x256xf32, #tpu.memory_space<vmem>>, vector<1x1x16xf32>,
      %get3A_399 = vector.shape_cast %get3A_398 : vector<1x1x16xf32> to vector<16xf32>
      %get3A_400 = arith.constant 1 : i32
      %get3A_401 = arith.index_cast %get3A_400 : i32 to index
      %get3A_402 = arith.index_cast %scan3A_214 : i32 to index
      %get3A_403 = arith.constant 192 : index
      %get3A_404 = tpu.vector_load %arg10[%get3A_401, %get3A_402, %get3A_403] {strides = array<i32>} : memref<2x72x256xf32, #tpu.memory_space<vmem>>, vector<1x1x16xf32>,
      %get3A_405 = vector.shape_cast %get3A_404 : vector<1x1x16xf32> to vector<16xf32>
      %sub3A_406 = arith.subf %get3A_399, %get3A_405 : vector<16xf32>
      %mul3A_407 = arith.mulf %sub3A_406, %sub3A_406 : vector<16xf32>
      %add3A_408 = arith.addf %add3A_393, %mul3A_407 : vector<16xf32>
      %get3A_409 = arith.constant 1 : i32
      %get3A_410 = arith.index_cast %get3A_409 : i32 to index
      %get3A_411 = arith.index_cast %scan3A_214 : i32 to index
      %get3A_412 = arith.constant 208 : index
      %get3A_413 = tpu.vector_load %arg11[%get3A_410, %get3A_411, %get3A_412] {strides = array<i32>} : memref<2x72x256xf32, #tpu.memory_space<vmem>>, vector<1x1x16xf32>,
      %get3A_414 = vector.shape_cast %get3A_413 : vector<1x1x16xf32> to vector<16xf32>
      %get3A_415 = arith.constant 1 : i32
      %get3A_416 = arith.index_cast %get3A_415 : i32 to index
      %get3A_417 = arith.index_cast %scan3A_214 : i32 to index
      %get3A_418 = arith.constant 208 : index
      %get3A_419 = tpu.vector_load %arg10[%get3A_416, %get3A_417, %get3A_418] {strides = array<i32>} : memref<2x72x256xf32, #tpu.memory_space<vmem>>, vector<1x1x16xf32>,
      %get3A_420 = vector.shape_cast %get3A_419 : vector<1x1x16xf32> to vector<16xf32>
      %sub3A_421 = arith.subf %get3A_414, %get3A_420 : vector<16xf32>
      %mul3A_422 = arith.mulf %sub3A_421, %sub3A_421 : vector<16xf32>
      %add3A_423 = arith.addf %add3A_408, %mul3A_422 : vector<16xf32>
      %get3A_424 = arith.constant 1 : i32
      %get3A_425 = arith.index_cast %get3A_424 : i32 to index
      %get3A_426 = arith.index_cast %scan3A_214 : i32 to index
      %get3A_427 = arith.constant 224 : index
      %get3A_428 = tpu.vector_load %arg11[%get3A_425, %get3A_426, %get3A_427] {strides = array<i32>} : memref<2x72x256xf32, #tpu.memory_space<vmem>>, vector<1x1x16xf32>,
      %get3A_429 = vector.shape_cast %get3A_428 : vector<1x1x16xf32> to vector<16xf32>
      %get3A_430 = arith.constant 1 : i32
      %get3A_431 = arith.index_cast %get3A_430 : i32 to index
      %get3A_432 = arith.index_cast %scan3A_214 : i32 to index
      %get3A_433 = arith.constant 224 : index
      %get3A_434 = tpu.vector_load %arg10[%get3A_431, %get3A_432, %get3A_433] {strides = array<i32>} : memref<2x72x256xf32, #tpu.memory_space<vmem>>, vector<1x1x16xf32>,
      %get3A_435 = vector.shape_cast %get3A_434 : vector<1x1x16xf32> to vector<16xf32>
      %sub3A_436 = arith.subf %get3A_429, %get3A_435 : vector<16xf32>
      %mul3A_437 = arith.mulf %sub3A_436, %sub3A_436 : vector<16xf32>
      %add3A_438 = arith.addf %add3A_423, %mul3A_437 : vector<16xf32>
      %get3A_439 = arith.constant 1 : i32
      %get3A_440 = arith.index_cast %get3A_439 : i32 to index
      %get3A_441 = arith.index_cast %scan3A_214 : i32 to index
      %get3A_442 = arith.constant 240 : index
      %get3A_443 = tpu.vector_load %arg11[%get3A_440, %get3A_441, %get3A_442] {strides = array<i32>} : memref<2x72x256xf32, #tpu.memory_space<vmem>>, vector<1x1x16xf32>,
      %get3A_444 = vector.shape_cast %get3A_443 : vector<1x1x16xf32> to vector<16xf32>
      %get3A_445 = arith.constant 1 : i32
      %get3A_446 = arith.index_cast %get3A_445 : i32 to index
      %get3A_447 = arith.index_cast %scan3A_214 : i32 to index
      %get3A_448 = arith.constant 240 : index
      %get3A_449 = tpu.vector_load %arg10[%get3A_446, %get3A_447, %get3A_448] {strides = array<i32>} : memref<2x72x256xf32, #tpu.memory_space<vmem>>, vector<1x1x16xf32>,
      %get3A_450 = vector.shape_cast %get3A_449 : vector<1x1x16xf32> to vector<16xf32>
      %sub3A_451 = arith.subf %get3A_444, %get3A_450 : vector<16xf32>
      %mul3A_452 = arith.mulf %sub3A_451, %sub3A_451 : vector<16xf32>
      %add3A_453 = arith.addf %add3A_438, %mul3A_452 : vector<16xf32>
      scf.yield %add3A_453 : vector<16xf32>
    }
    %scan3A_133 = arith.constant 72 : i32
    %dma_start3A_134 = arith.constant 1 : i32
    %dma_start3A_135 = arith.constant 0 : i32
    %dma_start3A_136 = arith.constant 0 : i32
    %dma_start3A_137 = tpu.memref_slice %arg10[%dma_start3A_134, %dma_start3A_135, %dma_start3A_136] : memref<2x72x256xf32, #tpu.memory_space<vmem>> -> memref<1x72x256xf32, #tpu.memory_space<vmem>>
    %dma_start3A_138 = tpu.memref_squeeze %dma_start3A_137 : memref<1x72x256xf32, #tpu.memory_space<vmem>> -> memref<72x256xf32, #tpu.memory_space<vmem>>
    %dma_start3A_139 = arith.constant 0 : i32
    %dma_start3A_140 = arith.constant 0 : i32
    %dma_start3A_141 = tpu.memref_slice %arg2[%dma_start3A_139, %dma_start3A_140] : memref<8192x256xf32, #tpu.memory_space<hbm>> -> memref<8192x256xf32, #tpu.memory_space<hbm>>
    tpu.enqueue_indirect_dma source(%dma_start3A_141 : memref<8192x256xf32, #tpu.memory_space<hbm>>) target(%dma_start3A_138 : memref<72x256xf32, #tpu.memory_space<vmem>>) offsets(%arg9 : memref<72xi32, #tpu.memory_space<vmem>>) semaphore(%arg14 : memref<!tpu.dma_semaphore, #tpu.memory_space<semaphore_mem>>)
    %add3A_142 = arith.constant 216 : i32
    %add3A_143 = arith.addi %mul3A_4, %add3A_142 : i32
    %dma_start3A_144 = arith.constant 1 : i32
    %dma_start3A_145 = arith.constant 0 : i32
    %dma_start3A_146 = arith.constant 0 : i32
    %dma_start3A_147 = tpu.memref_slice %arg11[%dma_start3A_144, %dma_start3A_145, %dma_start3A_146] : memref<2x72x256xf32, #tpu.memory_space<vmem>> -> memref<1x72x256xf32, #tpu.memory_space<vmem>>
    %dma_start3A_148 = tpu.memref_squeeze %dma_start3A_147 : memref<1x72x256xf32, #tpu.memory_space<vmem>> -> memref<72x256xf32, #tpu.memory_space<vmem>>
    %dma_start3A_149 = arith.constant 0 : i32
    %dma_start3A_150 = tpu.memref_slice %arg3[%add3A_143, %dma_start3A_149] : memref<9216x256xf32, #tpu.memory_space<hbm>> -> memref<72x256xf32, #tpu.memory_space<hbm>>
    %dma_start3A_151 = arith.constant 0 : i32
    %dma_start3A_152 = arith.constant 0 : i32
    %dma_start3A_153 = tpu.memref_slice %arg11[%dma_start3A_144, %dma_start3A_151, %dma_start3A_152] : memref<2x72x256xf32, #tpu.memory_space<vmem>> -> memref<1x72x256xf32, #tpu.memory_space<vmem>>
    %dma_start3A_154 = tpu.memref_squeeze %dma_start3A_153 : memref<1x72x256xf32, #tpu.memory_space<vmem>> -> memref<72x256xf32, #tpu.memory_space<vmem>>
    %dma_start3A_155 = arith.constant 0 : i32
    %dma_start3A_156 = tpu.memref_slice %arg3[%add3A_143, %dma_start3A_155] : memref<9216x256xf32, #tpu.memory_space<hbm>> -> memref<72x256xf32, #tpu.memory_space<hbm>>
    tpu.enqueue_dma source(%dma_start3A_156 : memref<72x256xf32, #tpu.memory_space<hbm>>) target(%dma_start3A_154 : memref<72x256xf32, #tpu.memory_space<vmem>>) target_semaphore(%arg16 : memref<!tpu.dma_semaphore, #tpu.memory_space<semaphore_mem>>)
    %dma_wait3A_157 = arith.constant 0 : i32
    %dma_wait3A_158 = arith.constant 0 : i32
    %dma_wait3A_159 = arith.constant 0 : i32
    %dma_wait3A_160 = tpu.memref_slice %arg10[%dma_wait3A_157, %dma_wait3A_158, %dma_wait3A_159] : memref<2x72x256xf32, #tpu.memory_space<vmem>> -> memref<1x72x256xf32, #tpu.memory_space<vmem>>
    %dma_wait3A_161 = tpu.memref_squeeze %dma_wait3A_160 : memref<1x72x256xf32, #tpu.memory_space<vmem>> -> memref<72x256xf32, #tpu.memory_space<vmem>>
    %dma_wait3A_162 = arith.constant 0 : i32
    %dma_wait3A_163 = arith.constant 0 : i32
    %dma_wait3A_164 = tpu.memref_slice %arg2[%dma_wait3A_162, %dma_wait3A_163] : memref<8192x256xf32, #tpu.memory_space<hbm>> -> memref<8192x256xf32, #tpu.memory_space<hbm>>
    tpu.wait_indirect_dma semaphore(%arg13 : memref<!tpu.dma_semaphore, #tpu.memory_space<semaphore_mem>>) src(%dma_wait3A_164 : memref<8192x256xf32, #tpu.memory_space<hbm>>) dst(%dma_wait3A_161 : memref<72x256xf32, #tpu.memory_space<vmem>>)
    %dma_wait3A_165 = arith.constant 0 : i32
    %dma_wait3A_166 = arith.constant 0 : i32
    %dma_wait3A_167 = arith.constant 0 : i32
    %dma_wait3A_168 = tpu.memref_slice %arg11[%dma_wait3A_165, %dma_wait3A_166, %dma_wait3A_167] : memref<2x72x256xf32, #tpu.memory_space<vmem>> -> memref<1x72x256xf32, #tpu.memory_space<vmem>>
    %dma_wait3A_169 = tpu.memref_squeeze %dma_wait3A_168 : memref<1x72x256xf32, #tpu.memory_space<vmem>> -> memref<72x256xf32, #tpu.memory_space<vmem>>
    %dma_wait3A_170 = arith.constant 0 : i32
    %dma_wait3A_171 = tpu.memref_slice %arg3[%add3A_93, %dma_wait3A_170] : memref<9216x256xf32, #tpu.memory_space<hbm>> -> memref<72x256xf32, #tpu.memory_space<hbm>>
    %dma_wait3A_172 = arith.constant 0 : i32
    %dma_wait3A_173 = arith.constant 0 : i32
    %dma_wait3A_174 = tpu.memref_slice %arg11[%dma_wait3A_165, %dma_wait3A_172, %dma_wait3A_173] : memref<2x72x256xf32, #tpu.memory_space<vmem>> -> memref<1x72x256xf32, #tpu.memory_space<vmem>>
    %dma_wait3A_175 = tpu.memref_squeeze %dma_wait3A_174 : memref<1x72x256xf32, #tpu.memory_space<vmem>> -> memref<72x256xf32, #tpu.memory_space<vmem>>
    %dma_wait3A_176 = arith.constant 0 : i32
    %dma_wait3A_177 = tpu.memref_slice %arg3[%add3A_93, %dma_wait3A_176] : memref<9216x256xf32, #tpu.memory_space<hbm>> -> memref<72x256xf32, #tpu.memory_space<hbm>>
    tpu.wait_dma2 semaphore(%arg15 : memref<!tpu.dma_semaphore, #tpu.memory_space<semaphore_mem>>) src(%dma_wait3A_177 : memref<72x256xf32, #tpu.memory_space<hbm>>) dst(%dma_wait3A_175 : memref<72x256xf32, #tpu.memory_space<vmem>>)
    %scan3A_178 = arith.constant 0 : i32
    %scan3A_179 = arith.constant 72 : i32
    %scan3A_180 = arith.addi %scan3A_178, %scan3A_179 : i32
    %scan3A_181 = arith.constant 1 : i32
    %scan3A_182 = scf.for %scan3A_214 = %scan3A_178 to %scan3A_180 step %scan3A_181 iter_args(%scan3A_215 = %scan3A_132) -> (vector<16xf32>)  : i32 {
      %get3A = arith.constant 0 : i32
      %get3A_216 = arith.index_cast %get3A : i32 to index
      %get3A_217 = arith.index_cast %scan3A_214 : i32 to index
      %get3A_218 = arith.constant 0 : index
      %get3A_219 = tpu.vector_load %arg11[%get3A_216, %get3A_217, %get3A_218] {strides = array<i32>} : memref<2x72x256xf32, #tpu.memory_space<vmem>>, vector<1x1x16xf32>,
      %get3A_220 = vector.shape_cast %get3A_219 : vector<1x1x16xf32> to vector<16xf32>
      %get3A_221 = arith.constant 0 : i32
      %get3A_222 = arith.index_cast %get3A_221 : i32 to index
      %get3A_223 = arith.index_cast %scan3A_214 : i32 to index
      %get3A_224 = arith.constant 0 : index
      %get3A_225 = tpu.vector_load %arg10[%get3A_222, %get3A_223, %get3A_224] {strides = array<i32>} : memref<2x72x256xf32, #tpu.memory_space<vmem>>, vector<1x1x16xf32>,
      %get3A_226 = vector.shape_cast %get3A_225 : vector<1x1x16xf32> to vector<16xf32>
      %sub3A = arith.subf %get3A_220, %get3A_226 : vector<16xf32>
      %mul3A_227 = arith.mulf %sub3A, %sub3A : vector<16xf32>
      %add3A_228 = arith.addf %scan3A_215, %mul3A_227 : vector<16xf32>
      %get3A_229 = arith.constant 0 : i32
      %get3A_230 = arith.index_cast %get3A_229 : i32 to index
      %get3A_231 = arith.index_cast %scan3A_214 : i32 to index
      %get3A_232 = arith.constant 16 : index
      %get3A_233 = tpu.vector_load %arg11[%get3A_230, %get3A_231, %get3A_232] {strides = array<i32>} : memref<2x72x256xf32, #tpu.memory_space<vmem>>, vector<1x1x16xf32>,
      %get3A_234 = vector.shape_cast %get3A_233 : vector<1x1x16xf32> to vector<16xf32>
      %get3A_235 = arith.constant 0 : i32
      %get3A_236 = arith.index_cast %get3A_235 : i32 to index
      %get3A_237 = arith.index_cast %scan3A_214 : i32 to index
      %get3A_238 = arith.constant 16 : index
      %get3A_239 = tpu.vector_load %arg10[%get3A_236, %get3A_237, %get3A_238] {strides = array<i32>} : memref<2x72x256xf32, #tpu.memory_space<vmem>>, vector<1x1x16xf32>,
      %get3A_240 = vector.shape_cast %get3A_239 : vector<1x1x16xf32> to vector<16xf32>
      %sub3A_241 = arith.subf %get3A_234, %get3A_240 : vector<16xf32>
      %mul3A_242 = arith.mulf %sub3A_241, %sub3A_241 : vector<16xf32>
      %add3A_243 = arith.addf %add3A_228, %mul3A_242 : vector<16xf32>
      %get3A_244 = arith.constant 0 : i32
      %get3A_245 = arith.index_cast %get3A_244 : i32 to index
      %get3A_246 = arith.index_cast %scan3A_214 : i32 to index
      %get3A_247 = arith.constant 32 : index
      %get3A_248 = tpu.vector_load %arg11[%get3A_245, %get3A_246, %get3A_247] {strides = array<i32>} : memref<2x72x256xf32, #tpu.memory_space<vmem>>, vector<1x1x16xf32>,
      %get3A_249 = vector.shape_cast %get3A_248 : vector<1x1x16xf32> to vector<16xf32>
      %get3A_250 = arith.constant 0 : i32
      %get3A_251 = arith.index_cast %get3A_250 : i32 to index
      %get3A_252 = arith.index_cast %scan3A_214 : i32 to index
      %get3A_253 = arith.constant 32 : index
      %get3A_254 = tpu.vector_load %arg10[%get3A_251, %get3A_252, %get3A_253] {strides = array<i32>} : memref<2x72x256xf32, #tpu.memory_space<vmem>>, vector<1x1x16xf32>,
      %get3A_255 = vector.shape_cast %get3A_254 : vector<1x1x16xf32> to vector<16xf32>
      %sub3A_256 = arith.subf %get3A_249, %get3A_255 : vector<16xf32>
      %mul3A_257 = arith.mulf %sub3A_256, %sub3A_256 : vector<16xf32>
      %add3A_258 = arith.addf %add3A_243, %mul3A_257 : vector<16xf32>
      %get3A_259 = arith.constant 0 : i32
      %get3A_260 = arith.index_cast %get3A_259 : i32 to index
      %get3A_261 = arith.index_cast %scan3A_214 : i32 to index
      %get3A_262 = arith.constant 48 : index
      %get3A_263 = tpu.vector_load %arg11[%get3A_260, %get3A_261, %get3A_262] {strides = array<i32>} : memref<2x72x256xf32, #tpu.memory_space<vmem>>, vector<1x1x16xf32>,
      %get3A_264 = vector.shape_cast %get3A_263 : vector<1x1x16xf32> to vector<16xf32>
      %get3A_265 = arith.constant 0 : i32
      %get3A_266 = arith.index_cast %get3A_265 : i32 to index
      %get3A_267 = arith.index_cast %scan3A_214 : i32 to index
      %get3A_268 = arith.constant 48 : index
      %get3A_269 = tpu.vector_load %arg10[%get3A_266, %get3A_267, %get3A_268] {strides = array<i32>} : memref<2x72x256xf32, #tpu.memory_space<vmem>>, vector<1x1x16xf32>,
      %get3A_270 = vector.shape_cast %get3A_269 : vector<1x1x16xf32> to vector<16xf32>
      %sub3A_271 = arith.subf %get3A_264, %get3A_270 : vector<16xf32>
      %mul3A_272 = arith.mulf %sub3A_271, %sub3A_271 : vector<16xf32>
      %add3A_273 = arith.addf %add3A_258, %mul3A_272 : vector<16xf32>
      %get3A_274 = arith.constant 0 : i32
      %get3A_275 = arith.index_cast %get3A_274 : i32 to index
      %get3A_276 = arith.index_cast %scan3A_214 : i32 to index
      %get3A_277 = arith.constant 64 : index
      %get3A_278 = tpu.vector_load %arg11[%get3A_275, %get3A_276, %get3A_277] {strides = array<i32>} : memref<2x72x256xf32, #tpu.memory_space<vmem>>, vector<1x1x16xf32>,
      %get3A_279 = vector.shape_cast %get3A_278 : vector<1x1x16xf32> to vector<16xf32>
      %get3A_280 = arith.constant 0 : i32
      %get3A_281 = arith.index_cast %get3A_280 : i32 to index
      %get3A_282 = arith.index_cast %scan3A_214 : i32 to index
      %get3A_283 = arith.constant 64 : index
      %get3A_284 = tpu.vector_load %arg10[%get3A_281, %get3A_282, %get3A_283] {strides = array<i32>} : memref<2x72x256xf32, #tpu.memory_space<vmem>>, vector<1x1x16xf32>,
      %get3A_285 = vector.shape_cast %get3A_284 : vector<1x1x16xf32> to vector<16xf32>
      %sub3A_286 = arith.subf %get3A_279, %get3A_285 : vector<16xf32>
      %mul3A_287 = arith.mulf %sub3A_286, %sub3A_286 : vector<16xf32>
      %add3A_288 = arith.addf %add3A_273, %mul3A_287 : vector<16xf32>
      %get3A_289 = arith.constant 0 : i32
      %get3A_290 = arith.index_cast %get3A_289 : i32 to index
      %get3A_291 = arith.index_cast %scan3A_214 : i32 to index
      %get3A_292 = arith.constant 80 : index
      %get3A_293 = tpu.vector_load %arg11[%get3A_290, %get3A_291, %get3A_292] {strides = array<i32>} : memref<2x72x256xf32, #tpu.memory_space<vmem>>, vector<1x1x16xf32>,
      %get3A_294 = vector.shape_cast %get3A_293 : vector<1x1x16xf32> to vector<16xf32>
      %get3A_295 = arith.constant 0 : i32
      %get3A_296 = arith.index_cast %get3A_295 : i32 to index
      %get3A_297 = arith.index_cast %scan3A_214 : i32 to index
      %get3A_298 = arith.constant 80 : index
      %get3A_299 = tpu.vector_load %arg10[%get3A_296, %get3A_297, %get3A_298] {strides = array<i32>} : memref<2x72x256xf32, #tpu.memory_space<vmem>>, vector<1x1x16xf32>,
      %get3A_300 = vector.shape_cast %get3A_299 : vector<1x1x16xf32> to vector<16xf32>
      %sub3A_301 = arith.subf %get3A_294, %get3A_300 : vector<16xf32>
      %mul3A_302 = arith.mulf %sub3A_301, %sub3A_301 : vector<16xf32>
      %add3A_303 = arith.addf %add3A_288, %mul3A_302 : vector<16xf32>
      %get3A_304 = arith.constant 0 : i32
      %get3A_305 = arith.index_cast %get3A_304 : i32 to index
      %get3A_306 = arith.index_cast %scan3A_214 : i32 to index
      %get3A_307 = arith.constant 96 : index
      %get3A_308 = tpu.vector_load %arg11[%get3A_305, %get3A_306, %get3A_307] {strides = array<i32>} : memref<2x72x256xf32, #tpu.memory_space<vmem>>, vector<1x1x16xf32>,
      %get3A_309 = vector.shape_cast %get3A_308 : vector<1x1x16xf32> to vector<16xf32>
      %get3A_310 = arith.constant 0 : i32
      %get3A_311 = arith.index_cast %get3A_310 : i32 to index
      %get3A_312 = arith.index_cast %scan3A_214 : i32 to index
      %get3A_313 = arith.constant 96 : index
      %get3A_314 = tpu.vector_load %arg10[%get3A_311, %get3A_312, %get3A_313] {strides = array<i32>} : memref<2x72x256xf32, #tpu.memory_space<vmem>>, vector<1x1x16xf32>,
      %get3A_315 = vector.shape_cast %get3A_314 : vector<1x1x16xf32> to vector<16xf32>
      %sub3A_316 = arith.subf %get3A_309, %get3A_315 : vector<16xf32>
      %mul3A_317 = arith.mulf %sub3A_316, %sub3A_316 : vector<16xf32>
      %add3A_318 = arith.addf %add3A_303, %mul3A_317 : vector<16xf32>
      %get3A_319 = arith.constant 0 : i32
      %get3A_320 = arith.index_cast %get3A_319 : i32 to index
      %get3A_321 = arith.index_cast %scan3A_214 : i32 to index
      %get3A_322 = arith.constant 112 : index
      %get3A_323 = tpu.vector_load %arg11[%get3A_320, %get3A_321, %get3A_322] {strides = array<i32>} : memref<2x72x256xf32, #tpu.memory_space<vmem>>, vector<1x1x16xf32>,
      %get3A_324 = vector.shape_cast %get3A_323 : vector<1x1x16xf32> to vector<16xf32>
      %get3A_325 = arith.constant 0 : i32
      %get3A_326 = arith.index_cast %get3A_325 : i32 to index
      %get3A_327 = arith.index_cast %scan3A_214 : i32 to index
      %get3A_328 = arith.constant 112 : index
      %get3A_329 = tpu.vector_load %arg10[%get3A_326, %get3A_327, %get3A_328] {strides = array<i32>} : memref<2x72x256xf32, #tpu.memory_space<vmem>>, vector<1x1x16xf32>,
      %get3A_330 = vector.shape_cast %get3A_329 : vector<1x1x16xf32> to vector<16xf32>
      %sub3A_331 = arith.subf %get3A_324, %get3A_330 : vector<16xf32>
      %mul3A_332 = arith.mulf %sub3A_331, %sub3A_331 : vector<16xf32>
      %add3A_333 = arith.addf %add3A_318, %mul3A_332 : vector<16xf32>
      %get3A_334 = arith.constant 0 : i32
      %get3A_335 = arith.index_cast %get3A_334 : i32 to index
      %get3A_336 = arith.index_cast %scan3A_214 : i32 to index
      %get3A_337 = arith.constant 128 : index
      %get3A_338 = tpu.vector_load %arg11[%get3A_335, %get3A_336, %get3A_337] {strides = array<i32>} : memref<2x72x256xf32, #tpu.memory_space<vmem>>, vector<1x1x16xf32>,
      %get3A_339 = vector.shape_cast %get3A_338 : vector<1x1x16xf32> to vector<16xf32>
      %get3A_340 = arith.constant 0 : i32
      %get3A_341 = arith.index_cast %get3A_340 : i32 to index
      %get3A_342 = arith.index_cast %scan3A_214 : i32 to index
      %get3A_343 = arith.constant 128 : index
      %get3A_344 = tpu.vector_load %arg10[%get3A_341, %get3A_342, %get3A_343] {strides = array<i32>} : memref<2x72x256xf32, #tpu.memory_space<vmem>>, vector<1x1x16xf32>,
      %get3A_345 = vector.shape_cast %get3A_344 : vector<1x1x16xf32> to vector<16xf32>
      %sub3A_346 = arith.subf %get3A_339, %get3A_345 : vector<16xf32>
      %mul3A_347 = arith.mulf %sub3A_346, %sub3A_346 : vector<16xf32>
      %add3A_348 = arith.addf %add3A_333, %mul3A_347 : vector<16xf32>
      %get3A_349 = arith.constant 0 : i32
      %get3A_350 = arith.index_cast %get3A_349 : i32 to index
      %get3A_351 = arith.index_cast %scan3A_214 : i32 to index
      %get3A_352 = arith.constant 144 : index
      %get3A_353 = tpu.vector_load %arg11[%get3A_350, %get3A_351, %get3A_352] {strides = array<i32>} : memref<2x72x256xf32, #tpu.memory_space<vmem>>, vector<1x1x16xf32>,
      %get3A_354 = vector.shape_cast %get3A_353 : vector<1x1x16xf32> to vector<16xf32>
      %get3A_355 = arith.constant 0 : i32
      %get3A_356 = arith.index_cast %get3A_355 : i32 to index
      %get3A_357 = arith.index_cast %scan3A_214 : i32 to index
      %get3A_358 = arith.constant 144 : index
      %get3A_359 = tpu.vector_load %arg10[%get3A_356, %get3A_357, %get3A_358] {strides = array<i32>} : memref<2x72x256xf32, #tpu.memory_space<vmem>>, vector<1x1x16xf32>,
      %get3A_360 = vector.shape_cast %get3A_359 : vector<1x1x16xf32> to vector<16xf32>
      %sub3A_361 = arith.subf %get3A_354, %get3A_360 : vector<16xf32>
      %mul3A_362 = arith.mulf %sub3A_361, %sub3A_361 : vector<16xf32>
      %add3A_363 = arith.addf %add3A_348, %mul3A_362 : vector<16xf32>
      %get3A_364 = arith.constant 0 : i32
      %get3A_365 = arith.index_cast %get3A_364 : i32 to index
      %get3A_366 = arith.index_cast %scan3A_214 : i32 to index
      %get3A_367 = arith.constant 160 : index
      %get3A_368 = tpu.vector_load %arg11[%get3A_365, %get3A_366, %get3A_367] {strides = array<i32>} : memref<2x72x256xf32, #tpu.memory_space<vmem>>, vector<1x1x16xf32>,
      %get3A_369 = vector.shape_cast %get3A_368 : vector<1x1x16xf32> to vector<16xf32>
      %get3A_370 = arith.constant 0 : i32
      %get3A_371 = arith.index_cast %get3A_370 : i32 to index
      %get3A_372 = arith.index_cast %scan3A_214 : i32 to index
      %get3A_373 = arith.constant 160 : index
      %get3A_374 = tpu.vector_load %arg10[%get3A_371, %get3A_372, %get3A_373] {strides = array<i32>} : memref<2x72x256xf32, #tpu.memory_space<vmem>>, vector<1x1x16xf32>,
      %get3A_375 = vector.shape_cast %get3A_374 : vector<1x1x16xf32> to vector<16xf32>
      %sub3A_376 = arith.subf %get3A_369, %get3A_375 : vector<16xf32>
      %mul3A_377 = arith.mulf %sub3A_376, %sub3A_376 : vector<16xf32>
      %add3A_378 = arith.addf %add3A_363, %mul3A_377 : vector<16xf32>
      %get3A_379 = arith.constant 0 : i32
      %get3A_380 = arith.index_cast %get3A_379 : i32 to index
      %get3A_381 = arith.index_cast %scan3A_214 : i32 to index
      %get3A_382 = arith.constant 176 : index
      %get3A_383 = tpu.vector_load %arg11[%get3A_380, %get3A_381, %get3A_382] {strides = array<i32>} : memref<2x72x256xf32, #tpu.memory_space<vmem>>, vector<1x1x16xf32>,
      %get3A_384 = vector.shape_cast %get3A_383 : vector<1x1x16xf32> to vector<16xf32>
      %get3A_385 = arith.constant 0 : i32
      %get3A_386 = arith.index_cast %get3A_385 : i32 to index
      %get3A_387 = arith.index_cast %scan3A_214 : i32 to index
      %get3A_388 = arith.constant 176 : index
      %get3A_389 = tpu.vector_load %arg10[%get3A_386, %get3A_387, %get3A_388] {strides = array<i32>} : memref<2x72x256xf32, #tpu.memory_space<vmem>>, vector<1x1x16xf32>,
      %get3A_390 = vector.shape_cast %get3A_389 : vector<1x1x16xf32> to vector<16xf32>
      %sub3A_391 = arith.subf %get3A_384, %get3A_390 : vector<16xf32>
      %mul3A_392 = arith.mulf %sub3A_391, %sub3A_391 : vector<16xf32>
      %add3A_393 = arith.addf %add3A_378, %mul3A_392 : vector<16xf32>
      %get3A_394 = arith.constant 0 : i32
      %get3A_395 = arith.index_cast %get3A_394 : i32 to index
      %get3A_396 = arith.index_cast %scan3A_214 : i32 to index
      %get3A_397 = arith.constant 192 : index
      %get3A_398 = tpu.vector_load %arg11[%get3A_395, %get3A_396, %get3A_397] {strides = array<i32>} : memref<2x72x256xf32, #tpu.memory_space<vmem>>, vector<1x1x16xf32>,
      %get3A_399 = vector.shape_cast %get3A_398 : vector<1x1x16xf32> to vector<16xf32>
      %get3A_400 = arith.constant 0 : i32
      %get3A_401 = arith.index_cast %get3A_400 : i32 to index
      %get3A_402 = arith.index_cast %scan3A_214 : i32 to index
      %get3A_403 = arith.constant 192 : index
      %get3A_404 = tpu.vector_load %arg10[%get3A_401, %get3A_402, %get3A_403] {strides = array<i32>} : memref<2x72x256xf32, #tpu.memory_space<vmem>>, vector<1x1x16xf32>,
      %get3A_405 = vector.shape_cast %get3A_404 : vector<1x1x16xf32> to vector<16xf32>
      %sub3A_406 = arith.subf %get3A_399, %get3A_405 : vector<16xf32>
      %mul3A_407 = arith.mulf %sub3A_406, %sub3A_406 : vector<16xf32>
      %add3A_408 = arith.addf %add3A_393, %mul3A_407 : vector<16xf32>
      %get3A_409 = arith.constant 0 : i32
      %get3A_410 = arith.index_cast %get3A_409 : i32 to index
      %get3A_411 = arith.index_cast %scan3A_214 : i32 to index
      %get3A_412 = arith.constant 208 : index
      %get3A_413 = tpu.vector_load %arg11[%get3A_410, %get3A_411, %get3A_412] {strides = array<i32>} : memref<2x72x256xf32, #tpu.memory_space<vmem>>, vector<1x1x16xf32>,
      %get3A_414 = vector.shape_cast %get3A_413 : vector<1x1x16xf32> to vector<16xf32>
      %get3A_415 = arith.constant 0 : i32
      %get3A_416 = arith.index_cast %get3A_415 : i32 to index
      %get3A_417 = arith.index_cast %scan3A_214 : i32 to index
      %get3A_418 = arith.constant 208 : index
      %get3A_419 = tpu.vector_load %arg10[%get3A_416, %get3A_417, %get3A_418] {strides = array<i32>} : memref<2x72x256xf32, #tpu.memory_space<vmem>>, vector<1x1x16xf32>,
      %get3A_420 = vector.shape_cast %get3A_419 : vector<1x1x16xf32> to vector<16xf32>
      %sub3A_421 = arith.subf %get3A_414, %get3A_420 : vector<16xf32>
      %mul3A_422 = arith.mulf %sub3A_421, %sub3A_421 : vector<16xf32>
      %add3A_423 = arith.addf %add3A_408, %mul3A_422 : vector<16xf32>
      %get3A_424 = arith.constant 0 : i32
      %get3A_425 = arith.index_cast %get3A_424 : i32 to index
      %get3A_426 = arith.index_cast %scan3A_214 : i32 to index
      %get3A_427 = arith.constant 224 : index
      %get3A_428 = tpu.vector_load %arg11[%get3A_425, %get3A_426, %get3A_427] {strides = array<i32>} : memref<2x72x256xf32, #tpu.memory_space<vmem>>, vector<1x1x16xf32>,
      %get3A_429 = vector.shape_cast %get3A_428 : vector<1x1x16xf32> to vector<16xf32>
      %get3A_430 = arith.constant 0 : i32
      %get3A_431 = arith.index_cast %get3A_430 : i32 to index
      %get3A_432 = arith.index_cast %scan3A_214 : i32 to index
      %get3A_433 = arith.constant 224 : index
      %get3A_434 = tpu.vector_load %arg10[%get3A_431, %get3A_432, %get3A_433] {strides = array<i32>} : memref<2x72x256xf32, #tpu.memory_space<vmem>>, vector<1x1x16xf32>,
      %get3A_435 = vector.shape_cast %get3A_434 : vector<1x1x16xf32> to vector<16xf32>
      %sub3A_436 = arith.subf %get3A_429, %get3A_435 : vector<16xf32>
      %mul3A_437 = arith.mulf %sub3A_436, %sub3A_436 : vector<16xf32>
      %add3A_438 = arith.addf %add3A_423, %mul3A_437 : vector<16xf32>
      %get3A_439 = arith.constant 0 : i32
      %get3A_440 = arith.index_cast %get3A_439 : i32 to index
      %get3A_441 = arith.index_cast %scan3A_214 : i32 to index
      %get3A_442 = arith.constant 240 : index
      %get3A_443 = tpu.vector_load %arg11[%get3A_440, %get3A_441, %get3A_442] {strides = array<i32>} : memref<2x72x256xf32, #tpu.memory_space<vmem>>, vector<1x1x16xf32>,
      %get3A_444 = vector.shape_cast %get3A_443 : vector<1x1x16xf32> to vector<16xf32>
      %get3A_445 = arith.constant 0 : i32
      %get3A_446 = arith.index_cast %get3A_445 : i32 to index
      %get3A_447 = arith.index_cast %scan3A_214 : i32 to index
      %get3A_448 = arith.constant 240 : index
      %get3A_449 = tpu.vector_load %arg10[%get3A_446, %get3A_447, %get3A_448] {strides = array<i32>} : memref<2x72x256xf32, #tpu.memory_space<vmem>>, vector<1x1x16xf32>,
      %get3A_450 = vector.shape_cast %get3A_449 : vector<1x1x16xf32> to vector<16xf32>
      %sub3A_451 = arith.subf %get3A_444, %get3A_450 : vector<16xf32>
      %mul3A_452 = arith.mulf %sub3A_451, %sub3A_451 : vector<16xf32>
      %add3A_453 = arith.addf %add3A_438, %mul3A_452 : vector<16xf32>
      scf.yield %add3A_453 : vector<16xf32>
    }
    %scan3A_183 = arith.constant 72 : i32
    %dma_wait3A_184 = arith.constant 1 : i32
    %dma_wait3A_185 = arith.constant 0 : i32
    %dma_wait3A_186 = arith.constant 0 : i32
    %dma_wait3A_187 = tpu.memref_slice %arg10[%dma_wait3A_184, %dma_wait3A_185, %dma_wait3A_186] : memref<2x72x256xf32, #tpu.memory_space<vmem>> -> memref<1x72x256xf32, #tpu.memory_space<vmem>>
    %dma_wait3A_188 = tpu.memref_squeeze %dma_wait3A_187 : memref<1x72x256xf32, #tpu.memory_space<vmem>> -> memref<72x256xf32, #tpu.memory_space<vmem>>
    %dma_wait3A_189 = arith.constant 0 : i32
    %dma_wait3A_190 = arith.constant 0 : i32
    %dma_wait3A_191 = tpu.memref_slice %arg2[%dma_wait3A_189, %dma_wait3A_190] : memref<8192x256xf32, #tpu.memory_space<hbm>> -> memref<8192x256xf32, #tpu.memory_space<hbm>>
    tpu.wait_indirect_dma semaphore(%arg14 : memref<!tpu.dma_semaphore, #tpu.memory_space<semaphore_mem>>) src(%dma_wait3A_191 : memref<8192x256xf32, #tpu.memory_space<hbm>>) dst(%dma_wait3A_188 : memref<72x256xf32, #tpu.memory_space<vmem>>)
    %dma_wait3A_192 = arith.constant 1 : i32
    %dma_wait3A_193 = arith.constant 0 : i32
    %dma_wait3A_194 = arith.constant 0 : i32
    %dma_wait3A_195 = tpu.memref_slice %arg11[%dma_wait3A_192, %dma_wait3A_193, %dma_wait3A_194] : memref<2x72x256xf32, #tpu.memory_space<vmem>> -> memref<1x72x256xf32, #tpu.memory_space<vmem>>
    %dma_wait3A_196 = tpu.memref_squeeze %dma_wait3A_195 : memref<1x72x256xf32, #tpu.memory_space<vmem>> -> memref<72x256xf32, #tpu.memory_space<vmem>>
    %dma_wait3A_197 = arith.constant 0 : i32
    %dma_wait3A_198 = tpu.memref_slice %arg3[%add3A_143, %dma_wait3A_197] : memref<9216x256xf32, #tpu.memory_space<hbm>> -> memref<72x256xf32, #tpu.memory_space<hbm>>
    %dma_wait3A_199 = arith.constant 0 : i32
    %dma_wait3A_200 = arith.constant 0 : i32
    %dma_wait3A_201 = tpu.memref_slice %arg11[%dma_wait3A_192, %dma_wait3A_199, %dma_wait3A_200] : memref<2x72x256xf32, #tpu.memory_space<vmem>> -> memref<1x72x256xf32, #tpu.memory_space<vmem>>
    %dma_wait3A_202 = tpu.memref_squeeze %dma_wait3A_201 : memref<1x72x256xf32, #tpu.memory_space<vmem>> -> memref<72x256xf32, #tpu.memory_space<vmem>>
    %dma_wait3A_203 = arith.constant 0 : i32
    %dma_wait3A_204 = tpu.memref_slice %arg3[%add3A_143, %dma_wait3A_203] : memref<9216x256xf32, #tpu.memory_space<hbm>> -> memref<72x256xf32, #tpu.memory_space<hbm>>
    tpu.wait_dma2 semaphore(%arg16 : memref<!tpu.dma_semaphore, #tpu.memory_space<semaphore_mem>>) src(%dma_wait3A_204 : memref<72x256xf32, #tpu.memory_space<hbm>>) dst(%dma_wait3A_202 : memref<72x256xf32, #tpu.memory_space<vmem>>)
    %scan3A_205 = arith.constant 0 : i32
    %scan3A_206 = arith.constant 72 : i32
    %scan3A_207 = arith.addi %scan3A_205, %scan3A_206 : i32
    %scan3A_208 = arith.constant 1 : i32
    %scan3A_209 = scf.for %scan3A_214 = %scan3A_205 to %scan3A_207 step %scan3A_208 iter_args(%scan3A_215 = %scan3A_182) -> (vector<16xf32>)  : i32 {
      %get3A = arith.constant 1 : i32
      %get3A_216 = arith.index_cast %get3A : i32 to index
      %get3A_217 = arith.index_cast %scan3A_214 : i32 to index
      %get3A_218 = arith.constant 0 : index
      %get3A_219 = tpu.vector_load %arg11[%get3A_216, %get3A_217, %get3A_218] {strides = array<i32>} : memref<2x72x256xf32, #tpu.memory_space<vmem>>, vector<1x1x16xf32>,
      %get3A_220 = vector.shape_cast %get3A_219 : vector<1x1x16xf32> to vector<16xf32>
      %get3A_221 = arith.constant 1 : i32
      %get3A_222 = arith.index_cast %get3A_221 : i32 to index
      %get3A_223 = arith.index_cast %scan3A_214 : i32 to index
      %get3A_224 = arith.constant 0 : index
      %get3A_225 = tpu.vector_load %arg10[%get3A_222, %get3A_223, %get3A_224] {strides = array<i32>} : memref<2x72x256xf32, #tpu.memory_space<vmem>>, vector<1x1x16xf32>,
      %get3A_226 = vector.shape_cast %get3A_225 : vector<1x1x16xf32> to vector<16xf32>
      %sub3A = arith.subf %get3A_220, %get3A_226 : vector<16xf32>
      %mul3A_227 = arith.mulf %sub3A, %sub3A : vector<16xf32>
      %add3A_228 = arith.addf %scan3A_215, %mul3A_227 : vector<16xf32>
      %get3A_229 = arith.constant 1 : i32
      %get3A_230 = arith.index_cast %get3A_229 : i32 to index
      %get3A_231 = arith.index_cast %scan3A_214 : i32 to index
      %get3A_232 = arith.constant 16 : index
      %get3A_233 = tpu.vector_load %arg11[%get3A_230, %get3A_231, %get3A_232] {strides = array<i32>} : memref<2x72x256xf32, #tpu.memory_space<vmem>>, vector<1x1x16xf32>,
      %get3A_234 = vector.shape_cast %get3A_233 : vector<1x1x16xf32> to vector<16xf32>
      %get3A_235 = arith.constant 1 : i32
      %get3A_236 = arith.index_cast %get3A_235 : i32 to index
      %get3A_237 = arith.index_cast %scan3A_214 : i32 to index
      %get3A_238 = arith.constant 16 : index
      %get3A_239 = tpu.vector_load %arg10[%get3A_236, %get3A_237, %get3A_238] {strides = array<i32>} : memref<2x72x256xf32, #tpu.memory_space<vmem>>, vector<1x1x16xf32>,
      %get3A_240 = vector.shape_cast %get3A_239 : vector<1x1x16xf32> to vector<16xf32>
      %sub3A_241 = arith.subf %get3A_234, %get3A_240 : vector<16xf32>
      %mul3A_242 = arith.mulf %sub3A_241, %sub3A_241 : vector<16xf32>
      %add3A_243 = arith.addf %add3A_228, %mul3A_242 : vector<16xf32>
      %get3A_244 = arith.constant 1 : i32
      %get3A_245 = arith.index_cast %get3A_244 : i32 to index
      %get3A_246 = arith.index_cast %scan3A_214 : i32 to index
      %get3A_247 = arith.constant 32 : index
      %get3A_248 = tpu.vector_load %arg11[%get3A_245, %get3A_246, %get3A_247] {strides = array<i32>} : memref<2x72x256xf32, #tpu.memory_space<vmem>>, vector<1x1x16xf32>,
      %get3A_249 = vector.shape_cast %get3A_248 : vector<1x1x16xf32> to vector<16xf32>
      %get3A_250 = arith.constant 1 : i32
      %get3A_251 = arith.index_cast %get3A_250 : i32 to index
      %get3A_252 = arith.index_cast %scan3A_214 : i32 to index
      %get3A_253 = arith.constant 32 : index
      %get3A_254 = tpu.vector_load %arg10[%get3A_251, %get3A_252, %get3A_253] {strides = array<i32>} : memref<2x72x256xf32, #tpu.memory_space<vmem>>, vector<1x1x16xf32>,
      %get3A_255 = vector.shape_cast %get3A_254 : vector<1x1x16xf32> to vector<16xf32>
      %sub3A_256 = arith.subf %get3A_249, %get3A_255 : vector<16xf32>
      %mul3A_257 = arith.mulf %sub3A_256, %sub3A_256 : vector<16xf32>
      %add3A_258 = arith.addf %add3A_243, %mul3A_257 : vector<16xf32>
      %get3A_259 = arith.constant 1 : i32
      %get3A_260 = arith.index_cast %get3A_259 : i32 to index
      %get3A_261 = arith.index_cast %scan3A_214 : i32 to index
      %get3A_262 = arith.constant 48 : index
      %get3A_263 = tpu.vector_load %arg11[%get3A_260, %get3A_261, %get3A_262] {strides = array<i32>} : memref<2x72x256xf32, #tpu.memory_space<vmem>>, vector<1x1x16xf32>,
      %get3A_264 = vector.shape_cast %get3A_263 : vector<1x1x16xf32> to vector<16xf32>
      %get3A_265 = arith.constant 1 : i32
      %get3A_266 = arith.index_cast %get3A_265 : i32 to index
      %get3A_267 = arith.index_cast %scan3A_214 : i32 to index
      %get3A_268 = arith.constant 48 : index
      %get3A_269 = tpu.vector_load %arg10[%get3A_266, %get3A_267, %get3A_268] {strides = array<i32>} : memref<2x72x256xf32, #tpu.memory_space<vmem>>, vector<1x1x16xf32>,
      %get3A_270 = vector.shape_cast %get3A_269 : vector<1x1x16xf32> to vector<16xf32>
      %sub3A_271 = arith.subf %get3A_264, %get3A_270 : vector<16xf32>
      %mul3A_272 = arith.mulf %sub3A_271, %sub3A_271 : vector<16xf32>
      %add3A_273 = arith.addf %add3A_258, %mul3A_272 : vector<16xf32>
      %get3A_274 = arith.constant 1 : i32
      %get3A_275 = arith.index_cast %get3A_274 : i32 to index
      %get3A_276 = arith.index_cast %scan3A_214 : i32 to index
      %get3A_277 = arith.constant 64 : index
      %get3A_278 = tpu.vector_load %arg11[%get3A_275, %get3A_276, %get3A_277] {strides = array<i32>} : memref<2x72x256xf32, #tpu.memory_space<vmem>>, vector<1x1x16xf32>,
      %get3A_279 = vector.shape_cast %get3A_278 : vector<1x1x16xf32> to vector<16xf32>
      %get3A_280 = arith.constant 1 : i32
      %get3A_281 = arith.index_cast %get3A_280 : i32 to index
      %get3A_282 = arith.index_cast %scan3A_214 : i32 to index
      %get3A_283 = arith.constant 64 : index
      %get3A_284 = tpu.vector_load %arg10[%get3A_281, %get3A_282, %get3A_283] {strides = array<i32>} : memref<2x72x256xf32, #tpu.memory_space<vmem>>, vector<1x1x16xf32>,
      %get3A_285 = vector.shape_cast %get3A_284 : vector<1x1x16xf32> to vector<16xf32>
      %sub3A_286 = arith.subf %get3A_279, %get3A_285 : vector<16xf32>
      %mul3A_287 = arith.mulf %sub3A_286, %sub3A_286 : vector<16xf32>
      %add3A_288 = arith.addf %add3A_273, %mul3A_287 : vector<16xf32>
      %get3A_289 = arith.constant 1 : i32
      %get3A_290 = arith.index_cast %get3A_289 : i32 to index
      %get3A_291 = arith.index_cast %scan3A_214 : i32 to index
      %get3A_292 = arith.constant 80 : index
      %get3A_293 = tpu.vector_load %arg11[%get3A_290, %get3A_291, %get3A_292] {strides = array<i32>} : memref<2x72x256xf32, #tpu.memory_space<vmem>>, vector<1x1x16xf32>,
      %get3A_294 = vector.shape_cast %get3A_293 : vector<1x1x16xf32> to vector<16xf32>
      %get3A_295 = arith.constant 1 : i32
      %get3A_296 = arith.index_cast %get3A_295 : i32 to index
      %get3A_297 = arith.index_cast %scan3A_214 : i32 to index
      %get3A_298 = arith.constant 80 : index
      %get3A_299 = tpu.vector_load %arg10[%get3A_296, %get3A_297, %get3A_298] {strides = array<i32>} : memref<2x72x256xf32, #tpu.memory_space<vmem>>, vector<1x1x16xf32>,
      %get3A_300 = vector.shape_cast %get3A_299 : vector<1x1x16xf32> to vector<16xf32>
      %sub3A_301 = arith.subf %get3A_294, %get3A_300 : vector<16xf32>
      %mul3A_302 = arith.mulf %sub3A_301, %sub3A_301 : vector<16xf32>
      %add3A_303 = arith.addf %add3A_288, %mul3A_302 : vector<16xf32>
      %get3A_304 = arith.constant 1 : i32
      %get3A_305 = arith.index_cast %get3A_304 : i32 to index
      %get3A_306 = arith.index_cast %scan3A_214 : i32 to index
      %get3A_307 = arith.constant 96 : index
      %get3A_308 = tpu.vector_load %arg11[%get3A_305, %get3A_306, %get3A_307] {strides = array<i32>} : memref<2x72x256xf32, #tpu.memory_space<vmem>>, vector<1x1x16xf32>,
      %get3A_309 = vector.shape_cast %get3A_308 : vector<1x1x16xf32> to vector<16xf32>
      %get3A_310 = arith.constant 1 : i32
      %get3A_311 = arith.index_cast %get3A_310 : i32 to index
      %get3A_312 = arith.index_cast %scan3A_214 : i32 to index
      %get3A_313 = arith.constant 96 : index
      %get3A_314 = tpu.vector_load %arg10[%get3A_311, %get3A_312, %get3A_313] {strides = array<i32>} : memref<2x72x256xf32, #tpu.memory_space<vmem>>, vector<1x1x16xf32>,
      %get3A_315 = vector.shape_cast %get3A_314 : vector<1x1x16xf32> to vector<16xf32>
      %sub3A_316 = arith.subf %get3A_309, %get3A_315 : vector<16xf32>
      %mul3A_317 = arith.mulf %sub3A_316, %sub3A_316 : vector<16xf32>
      %add3A_318 = arith.addf %add3A_303, %mul3A_317 : vector<16xf32>
      %get3A_319 = arith.constant 1 : i32
      %get3A_320 = arith.index_cast %get3A_319 : i32 to index
      %get3A_321 = arith.index_cast %scan3A_214 : i32 to index
      %get3A_322 = arith.constant 112 : index
      %get3A_323 = tpu.vector_load %arg11[%get3A_320, %get3A_321, %get3A_322] {strides = array<i32>} : memref<2x72x256xf32, #tpu.memory_space<vmem>>, vector<1x1x16xf32>,
      %get3A_324 = vector.shape_cast %get3A_323 : vector<1x1x16xf32> to vector<16xf32>
      %get3A_325 = arith.constant 1 : i32
      %get3A_326 = arith.index_cast %get3A_325 : i32 to index
      %get3A_327 = arith.index_cast %scan3A_214 : i32 to index
      %get3A_328 = arith.constant 112 : index
      %get3A_329 = tpu.vector_load %arg10[%get3A_326, %get3A_327, %get3A_328] {strides = array<i32>} : memref<2x72x256xf32, #tpu.memory_space<vmem>>, vector<1x1x16xf32>,
      %get3A_330 = vector.shape_cast %get3A_329 : vector<1x1x16xf32> to vector<16xf32>
      %sub3A_331 = arith.subf %get3A_324, %get3A_330 : vector<16xf32>
      %mul3A_332 = arith.mulf %sub3A_331, %sub3A_331 : vector<16xf32>
      %add3A_333 = arith.addf %add3A_318, %mul3A_332 : vector<16xf32>
      %get3A_334 = arith.constant 1 : i32
      %get3A_335 = arith.index_cast %get3A_334 : i32 to index
      %get3A_336 = arith.index_cast %scan3A_214 : i32 to index
      %get3A_337 = arith.constant 128 : index
      %get3A_338 = tpu.vector_load %arg11[%get3A_335, %get3A_336, %get3A_337] {strides = array<i32>} : memref<2x72x256xf32, #tpu.memory_space<vmem>>, vector<1x1x16xf32>,
      %get3A_339 = vector.shape_cast %get3A_338 : vector<1x1x16xf32> to vector<16xf32>
      %get3A_340 = arith.constant 1 : i32
      %get3A_341 = arith.index_cast %get3A_340 : i32 to index
      %get3A_342 = arith.index_cast %scan3A_214 : i32 to index
      %get3A_343 = arith.constant 128 : index
      %get3A_344 = tpu.vector_load %arg10[%get3A_341, %get3A_342, %get3A_343] {strides = array<i32>} : memref<2x72x256xf32, #tpu.memory_space<vmem>>, vector<1x1x16xf32>,
      %get3A_345 = vector.shape_cast %get3A_344 : vector<1x1x16xf32> to vector<16xf32>
      %sub3A_346 = arith.subf %get3A_339, %get3A_345 : vector<16xf32>
      %mul3A_347 = arith.mulf %sub3A_346, %sub3A_346 : vector<16xf32>
      %add3A_348 = arith.addf %add3A_333, %mul3A_347 : vector<16xf32>
      %get3A_349 = arith.constant 1 : i32
      %get3A_350 = arith.index_cast %get3A_349 : i32 to index
      %get3A_351 = arith.index_cast %scan3A_214 : i32 to index
      %get3A_352 = arith.constant 144 : index
      %get3A_353 = tpu.vector_load %arg11[%get3A_350, %get3A_351, %get3A_352] {strides = array<i32>} : memref<2x72x256xf32, #tpu.memory_space<vmem>>, vector<1x1x16xf32>,
      %get3A_354 = vector.shape_cast %get3A_353 : vector<1x1x16xf32> to vector<16xf32>
      %get3A_355 = arith.constant 1 : i32
      %get3A_356 = arith.index_cast %get3A_355 : i32 to index
      %get3A_357 = arith.index_cast %scan3A_214 : i32 to index
      %get3A_358 = arith.constant 144 : index
      %get3A_359 = tpu.vector_load %arg10[%get3A_356, %get3A_357, %get3A_358] {strides = array<i32>} : memref<2x72x256xf32, #tpu.memory_space<vmem>>, vector<1x1x16xf32>,
      %get3A_360 = vector.shape_cast %get3A_359 : vector<1x1x16xf32> to vector<16xf32>
      %sub3A_361 = arith.subf %get3A_354, %get3A_360 : vector<16xf32>
      %mul3A_362 = arith.mulf %sub3A_361, %sub3A_361 : vector<16xf32>
      %add3A_363 = arith.addf %add3A_348, %mul3A_362 : vector<16xf32>
      %get3A_364 = arith.constant 1 : i32
      %get3A_365 = arith.index_cast %get3A_364 : i32 to index
      %get3A_366 = arith.index_cast %scan3A_214 : i32 to index
      %get3A_367 = arith.constant 160 : index
      %get3A_368 = tpu.vector_load %arg11[%get3A_365, %get3A_366, %get3A_367] {strides = array<i32>} : memref<2x72x256xf32, #tpu.memory_space<vmem>>, vector<1x1x16xf32>,
      %get3A_369 = vector.shape_cast %get3A_368 : vector<1x1x16xf32> to vector<16xf32>
      %get3A_370 = arith.constant 1 : i32
      %get3A_371 = arith.index_cast %get3A_370 : i32 to index
      %get3A_372 = arith.index_cast %scan3A_214 : i32 to index
      %get3A_373 = arith.constant 160 : index
      %get3A_374 = tpu.vector_load %arg10[%get3A_371, %get3A_372, %get3A_373] {strides = array<i32>} : memref<2x72x256xf32, #tpu.memory_space<vmem>>, vector<1x1x16xf32>,
      %get3A_375 = vector.shape_cast %get3A_374 : vector<1x1x16xf32> to vector<16xf32>
      %sub3A_376 = arith.subf %get3A_369, %get3A_375 : vector<16xf32>
      %mul3A_377 = arith.mulf %sub3A_376, %sub3A_376 : vector<16xf32>
      %add3A_378 = arith.addf %add3A_363, %mul3A_377 : vector<16xf32>
      %get3A_379 = arith.constant 1 : i32
      %get3A_380 = arith.index_cast %get3A_379 : i32 to index
      %get3A_381 = arith.index_cast %scan3A_214 : i32 to index
      %get3A_382 = arith.constant 176 : index
      %get3A_383 = tpu.vector_load %arg11[%get3A_380, %get3A_381, %get3A_382] {strides = array<i32>} : memref<2x72x256xf32, #tpu.memory_space<vmem>>, vector<1x1x16xf32>,
      %get3A_384 = vector.shape_cast %get3A_383 : vector<1x1x16xf32> to vector<16xf32>
      %get3A_385 = arith.constant 1 : i32
      %get3A_386 = arith.index_cast %get3A_385 : i32 to index
      %get3A_387 = arith.index_cast %scan3A_214 : i32 to index
      %get3A_388 = arith.constant 176 : index
      %get3A_389 = tpu.vector_load %arg10[%get3A_386, %get3A_387, %get3A_388] {strides = array<i32>} : memref<2x72x256xf32, #tpu.memory_space<vmem>>, vector<1x1x16xf32>,
      %get3A_390 = vector.shape_cast %get3A_389 : vector<1x1x16xf32> to vector<16xf32>
      %sub3A_391 = arith.subf %get3A_384, %get3A_390 : vector<16xf32>
      %mul3A_392 = arith.mulf %sub3A_391, %sub3A_391 : vector<16xf32>
      %add3A_393 = arith.addf %add3A_378, %mul3A_392 : vector<16xf32>
      %get3A_394 = arith.constant 1 : i32
      %get3A_395 = arith.index_cast %get3A_394 : i32 to index
      %get3A_396 = arith.index_cast %scan3A_214 : i32 to index
      %get3A_397 = arith.constant 192 : index
      %get3A_398 = tpu.vector_load %arg11[%get3A_395, %get3A_396, %get3A_397] {strides = array<i32>} : memref<2x72x256xf32, #tpu.memory_space<vmem>>, vector<1x1x16xf32>,
      %get3A_399 = vector.shape_cast %get3A_398 : vector<1x1x16xf32> to vector<16xf32>
      %get3A_400 = arith.constant 1 : i32
      %get3A_401 = arith.index_cast %get3A_400 : i32 to index
      %get3A_402 = arith.index_cast %scan3A_214 : i32 to index
      %get3A_403 = arith.constant 192 : index
      %get3A_404 = tpu.vector_load %arg10[%get3A_401, %get3A_402, %get3A_403] {strides = array<i32>} : memref<2x72x256xf32, #tpu.memory_space<vmem>>, vector<1x1x16xf32>,
      %get3A_405 = vector.shape_cast %get3A_404 : vector<1x1x16xf32> to vector<16xf32>
      %sub3A_406 = arith.subf %get3A_399, %get3A_405 : vector<16xf32>
      %mul3A_407 = arith.mulf %sub3A_406, %sub3A_406 : vector<16xf32>
      %add3A_408 = arith.addf %add3A_393, %mul3A_407 : vector<16xf32>
      %get3A_409 = arith.constant 1 : i32
      %get3A_410 = arith.index_cast %get3A_409 : i32 to index
      %get3A_411 = arith.index_cast %scan3A_214 : i32 to index
      %get3A_412 = arith.constant 208 : index
      %get3A_413 = tpu.vector_load %arg11[%get3A_410, %get3A_411, %get3A_412] {strides = array<i32>} : memref<2x72x256xf32, #tpu.memory_space<vmem>>, vector<1x1x16xf32>,
      %get3A_414 = vector.shape_cast %get3A_413 : vector<1x1x16xf32> to vector<16xf32>
      %get3A_415 = arith.constant 1 : i32
      %get3A_416 = arith.index_cast %get3A_415 : i32 to index
      %get3A_417 = arith.index_cast %scan3A_214 : i32 to index
      %get3A_418 = arith.constant 208 : index
      %get3A_419 = tpu.vector_load %arg10[%get3A_416, %get3A_417, %get3A_418] {strides = array<i32>} : memref<2x72x256xf32, #tpu.memory_space<vmem>>, vector<1x1x16xf32>,
      %get3A_420 = vector.shape_cast %get3A_419 : vector<1x1x16xf32> to vector<16xf32>
      %sub3A_421 = arith.subf %get3A_414, %get3A_420 : vector<16xf32>
      %mul3A_422 = arith.mulf %sub3A_421, %sub3A_421 : vector<16xf32>
      %add3A_423 = arith.addf %add3A_408, %mul3A_422 : vector<16xf32>
      %get3A_424 = arith.constant 1 : i32
      %get3A_425 = arith.index_cast %get3A_424 : i32 to index
      %get3A_426 = arith.index_cast %scan3A_214 : i32 to index
      %get3A_427 = arith.constant 224 : index
      %get3A_428 = tpu.vector_load %arg11[%get3A_425, %get3A_426, %get3A_427] {strides = array<i32>} : memref<2x72x256xf32, #tpu.memory_space<vmem>>, vector<1x1x16xf32>,
      %get3A_429 = vector.shape_cast %get3A_428 : vector<1x1x16xf32> to vector<16xf32>
      %get3A_430 = arith.constant 1 : i32
      %get3A_431 = arith.index_cast %get3A_430 : i32 to index
      %get3A_432 = arith.index_cast %scan3A_214 : i32 to index
      %get3A_433 = arith.constant 224 : index
      %get3A_434 = tpu.vector_load %arg10[%get3A_431, %get3A_432, %get3A_433] {strides = array<i32>} : memref<2x72x256xf32, #tpu.memory_space<vmem>>, vector<1x1x16xf32>,
      %get3A_435 = vector.shape_cast %get3A_434 : vector<1x1x16xf32> to vector<16xf32>
      %sub3A_436 = arith.subf %get3A_429, %get3A_435 : vector<16xf32>
      %mul3A_437 = arith.mulf %sub3A_436, %sub3A_436 : vector<16xf32>
      %add3A_438 = arith.addf %add3A_423, %mul3A_437 : vector<16xf32>
      %get3A_439 = arith.constant 1 : i32
      %get3A_440 = arith.index_cast %get3A_439 : i32 to index
      %get3A_441 = arith.index_cast %scan3A_214 : i32 to index
      %get3A_442 = arith.constant 240 : index
      %get3A_443 = tpu.vector_load %arg11[%get3A_440, %get3A_441, %get3A_442] {strides = array<i32>} : memref<2x72x256xf32, #tpu.memory_space<vmem>>, vector<1x1x16xf32>,
      %get3A_444 = vector.shape_cast %get3A_443 : vector<1x1x16xf32> to vector<16xf32>
      %get3A_445 = arith.constant 1 : i32
      %get3A_446 = arith.index_cast %get3A_445 : i32 to index
      %get3A_447 = arith.index_cast %scan3A_214 : i32 to index
      %get3A_448 = arith.constant 240 : index
      %get3A_449 = tpu.vector_load %arg10[%get3A_446, %get3A_447, %get3A_448] {strides = array<i32>} : memref<2x72x256xf32, #tpu.memory_space<vmem>>, vector<1x1x16xf32>,
      %get3A_450 = vector.shape_cast %get3A_449 : vector<1x1x16xf32> to vector<16xf32>
      %sub3A_451 = arith.subf %get3A_444, %get3A_450 : vector<16xf32>
      %mul3A_452 = arith.mulf %sub3A_451, %sub3A_451 : vector<16xf32>
      %add3A_453 = arith.addf %add3A_438, %mul3A_452 : vector<16xf32>
      scf.yield %add3A_453 : vector<16xf32>
    }
    %scan3A_210 = arith.constant 72 : i32
    %swap3A = arith.constant 0 : index
    %swap3A_211 = tpu.vector_load %arg12[%swap3A] {strides = array<i32>} : memref<16xf32, #tpu.memory_space<vmem>>, vector<16xf32>,
    %swap3A_212 = vector.shape_cast %swap3A_211 : vector<16xf32> to vector<16xf32>
    %swap3A_213 = vector.shape_cast %scan3A_209 : vector<16xf32> to vector<16xf32>
    tpu.vector_store %arg12[%swap3A], %swap3A_213 {strides = array<i32>} : memref<16xf32, #tpu.memory_space<vmem>>, vector<16xf32>,
    "tpu.region"() ({
      %run_scoped3A = tpu.sem_alloc : memref<!tpu.dma_semaphore, #tpu.memory_space<semaphore_mem>>
      %dma_start3A_214 = arith.constant 0 : i32
      %dma_start3A_215 = tpu.memref_slice %arg5[%add3A, %dma_start3A_214] : memref<32x16xf32, #tpu.memory_space<hbm>> -> memref<1x16xf32, #tpu.memory_space<hbm>>
      %dma_start3A_216 = tpu.memref_squeeze %dma_start3A_215 : memref<1x16xf32, #tpu.memory_space<hbm>> -> memref<16xf32, #tpu.memory_space<hbm>>
      %dma_start3A_217 = arith.constant 0 : i32
      %dma_start3A_218 = tpu.memref_slice %arg5[%add3A, %dma_start3A_217] : memref<32x16xf32, #tpu.memory_space<hbm>> -> memref<1x16xf32, #tpu.memory_space<hbm>>
      %dma_start3A_219 = tpu.memref_squeeze %dma_start3A_218 : memref<1x16xf32, #tpu.memory_space<hbm>> -> memref<16xf32, #tpu.memory_space<hbm>>
      tpu.enqueue_dma source(%arg12 : memref<16xf32, #tpu.memory_space<vmem>>) target(%dma_start3A_219 : memref<16xf32, #tpu.memory_space<hbm>>) target_semaphore(%run_scoped3A : memref<!tpu.dma_semaphore, #tpu.memory_space<semaphore_mem>>)
      %dma_wait3A_220 = arith.constant 0 : i32
      %dma_wait3A_221 = tpu.memref_slice %arg5[%add3A, %dma_wait3A_220] : memref<32x16xf32, #tpu.memory_space<hbm>> -> memref<1x16xf32, #tpu.memory_space<hbm>>
      %dma_wait3A_222 = tpu.memref_squeeze %dma_wait3A_221 : memref<1x16xf32, #tpu.memory_space<hbm>> -> memref<16xf32, #tpu.memory_space<hbm>>
      %dma_wait3A_223 = arith.constant 0 : i32
      %dma_wait3A_224 = tpu.memref_slice %arg5[%add3A, %dma_wait3A_223] : memref<32x16xf32, #tpu.memory_space<hbm>> -> memref<1x16xf32, #tpu.memory_space<hbm>>
      %dma_wait3A_225 = tpu.memref_squeeze %dma_wait3A_224 : memref<1x16xf32, #tpu.memory_space<hbm>> -> memref<16xf32, #tpu.memory_space<hbm>>
      tpu.wait_dma2 semaphore(%run_scoped3A : memref<!tpu.dma_semaphore, #tpu.memory_space<semaphore_mem>>) src(%arg12 : memref<16xf32, #tpu.memory_space<vmem>>) dst(%dma_wait3A_225 : memref<16xf32, #tpu.memory_space<hbm>>)
      tpu.yield
    }) : () -> ()
    return
  }
}

module attributes {stable_mosaic.version = 14 : i64} {
  func.func @_argmin_body(%arg0: i32, %arg1: memref<512x256xf32, #tpu.memory_space<vmem>>, %arg2: memref<8192x256xf32, #tpu.memory_space<vmem>>, %arg3: memref<1x1x512xi32, #tpu.memory_space<vmem>>, %arg4: memref<1x8192xf32, #tpu.memory_space<vmem>>, %arg5: memref<256x8192xbf16, #tpu.memory_space<vmem>>) attributes {dimension_semantics = [#tpu.dimension_semantics<arbitrary>], iteration_bounds = array<i64: 18>, scalar_prefetch = 0 : i64, scratch_operands = 2 : i64, tpu.core_type = #tpu.core_type<tc>, window_params = [{transform_indices = @transform_0, window_bounds = array<i64: 512, 256>}, {pipeline_mode = #tpu.pipeline_mode<synchronous>, transform_indices = @transform_1, window_bounds = array<i64: 8192, 256>}, {transform_indices = @transform_2, window_bounds = array<i64: 1, 1, 512>}]} {
    %eq3A = arith.constant 0 : i32
    %eq3A_0 = arith.cmpi eq, %arg0, %eq3A : i32
    %convert_element_type3A = arith.extui %eq3A_0 : i1 to i32
    %cond3A = arith.constant 0 : i32
    %cond3A_1 = arith.cmpi ne, %convert_element_type3A, %cond3A : i32
    scf.if %cond3A_1 {
      %get3A_26 = arith.constant 0 : index
      %get3A_27 = arith.constant 0 : index
      %get3A_28 = vector.load %arg2[%get3A_26, %get3A_27] : memref<8192x256xf32, #tpu.memory_space<vmem>>, vector<8192x256xf32>
      %convert_element_type3A_29 = arith.truncf %get3A_28 : vector<8192x256xf32> to vector<8192x256xbf16>
      %transpose3A = tpu.transpose %convert_element_type3A_29, [1, 0] : vector<8192x256xbf16> -> vector<256x8192xbf16>
      %swap3A_30 = arith.constant 0 : index
      %swap3A_31 = arith.constant 0 : index
      %swap3A_32 = vector.load %arg5[%swap3A_30, %swap3A_31] : memref<256x8192xbf16, #tpu.memory_space<vmem>>, vector<256x8192xbf16>
      tpu.vector_store %arg5[%swap3A_30, %swap3A_31], %transpose3A {strides = array<i32>} : memref<256x8192xbf16, #tpu.memory_space<vmem>>, vector<256x8192xbf16>,
      %get3A_33 = arith.constant 0 : index
      %get3A_34 = arith.constant 0 : index
      %get3A_35 = vector.load %arg5[%get3A_33, %get3A_34] : memref<256x8192xbf16, #tpu.memory_space<vmem>>, vector<256x8192xbf16>
      %convert_element_type3A_36 = arith.extf %get3A_35 : vector<256x8192xbf16> to vector<256x8192xf32>
      %mul3A_37 = arith.mulf %convert_element_type3A_36, %convert_element_type3A_36 : vector<256x8192xf32>
      %reduce_sum3A = arith.constant dense<0.000000e+00> : vector<8192xf32>
      %reduce_sum3A_38 = vector.multi_reduction <add>, %mul3A_37, %reduce_sum3A [0] : vector<256x8192xf32> to vector<8192xf32>
      %broadcast_in_dim3A = vector.shape_cast %reduce_sum3A_38 : vector<8192xf32> to vector<1x8192xf32>
      %swap3A_39 = arith.constant 0 : index
      %swap3A_40 = arith.constant 0 : index
      %swap3A_41 = vector.load %arg4[%swap3A_39, %swap3A_40] : memref<1x8192xf32, #tpu.memory_space<vmem>>, vector<1x8192xf32>
      tpu.vector_store %arg4[%swap3A_39, %swap3A_40], %broadcast_in_dim3A {strides = array<i32>} : memref<1x8192xf32, #tpu.memory_space<vmem>>, vector<1x8192xf32>,
    } else {
    }
    %get3A = arith.constant 0 : index
    %get3A_2 = arith.constant 0 : index
    %get3A_3 = vector.load %arg1[%get3A, %get3A_2] : memref<512x256xf32, #tpu.memory_space<vmem>>, vector<512x256xf32>
    %mul3A = arith.constant -2.000000e+00 : f32
    %mul3A_4 = vector.broadcast %mul3A : f32 to vector<512x256xf32>
    %mul3A_5 = arith.mulf %get3A_3, %mul3A_4 : vector<512x256xf32>
    %convert_element_type3A_6 = arith.truncf %mul3A_5 : vector<512x256xf32> to vector<512x256xbf16>
    %get3A_7 = arith.constant 0 : index
    %get3A_8 = arith.constant 0 : index
    %get3A_9 = vector.load %arg5[%get3A_7, %get3A_8] : memref<256x8192xbf16, #tpu.memory_space<vmem>>, vector<256x8192xbf16>
    %dot_general3A = arith.constant dense<0.000000e+00> : vector<512x8192xf32>
    %dot_general3A_10 = tpu.matmul %convert_element_type3A_6, %get3A_9, %dot_general3A {dimension_numbers = #tpu.dot_dimension_numbers<[1], [0], [0], [1], [0, 0, 1, 1], [], []>, transpose_lhs_hint = false} : vector<512x256xbf16>, vector<256x8192xbf16>, vector<512x8192xf32> -> vector<512x8192xf32>
    %get3A_11 = arith.constant 0 : index
    %get3A_12 = arith.constant 0 : index
    %get3A_13 = vector.load %arg4[%get3A_11, %get3A_12] : memref<1x8192xf32, #tpu.memory_space<vmem>>, vector<1x8192xf32>
    %add3A = vector.broadcast %get3A_13 : vector<1x8192xf32> to vector<512x8192xf32>
    %add3A_14 = arith.addf %dot_general3A_10, %add3A : vector<512x8192xf32>
    %iota3A = tpu.iota {dimensions = array<i32: 1>} : vector<512x8192xi32>
    %bitcast_convert_type3A = tpu.bitcast %add3A_14 : vector<512x8192xf32> -> vector<512x8192xi32>
    %and3A = arith.constant -8192 : i32
    %and3A_15 = vector.broadcast %and3A : i32 to vector<512x8192xi32>
    %and3A_16 = arith.andi %bitcast_convert_type3A, %and3A_15 : vector<512x8192xi32>
    %or3A = arith.ori %and3A_16, %iota3A : vector<512x8192xi32>
    %bitcast_convert_type3A_17 = tpu.bitcast %or3A : vector<512x8192xi32> -> vector<512x8192xf32>
    %reduce_min3A = arith.constant dense<0x7F800000> : vector<512xf32>
    %reduce_min3A_18 = vector.multi_reduction <minimumf>, %bitcast_convert_type3A_17, %reduce_min3A [1] : vector<512x8192xf32> to vector<512xf32>
    %bitcast_convert_type3A_19 = tpu.bitcast %reduce_min3A_18 : vector<512xf32> -> vector<512xi32>
    %and3A_20 = arith.constant 8191 : i32
    %and3A_21 = vector.broadcast %and3A_20 : i32 to vector<512xi32>
    %and3A_22 = arith.andi %bitcast_convert_type3A_19, %and3A_21 : vector<512xi32>
    %reshape3A = vector.shape_cast %and3A_22 : vector<512xi32> to vector<1x1x512xi32>
    %swap3A = arith.constant 0 : index
    %swap3A_23 = arith.constant 0 : index
    %swap3A_24 = arith.constant 0 : index
    %swap3A_25 = vector.load %arg3[%swap3A, %swap3A_23, %swap3A_24] : memref<1x1x512xi32, #tpu.memory_space<vmem>>, vector<1x1x512xi32>
    tpu.vector_store %arg3[%swap3A, %swap3A_23, %swap3A_24], %reshape3A {strides = array<i32>} : memref<1x1x512xi32, #tpu.memory_space<vmem>>, vector<1x1x512xi32>,
    return
  }
  func.func @transform_0(%arg0: i32) -> (i32, i32) {
    %c0_i32 = arith.constant 0 : i32
    %c0_i32_0 = arith.constant 0 : i32
    return %arg0, %c0_i32 : i32, i32
  }
  func.func @transform_1(%arg0: i32) -> (i32, i32) {
    %c0_i32 = arith.constant 0 : i32
    %c0_i32_0 = arith.constant 0 : i32
    %c0_i32_1 = arith.constant 0 : i32
    return %c0_i32, %c0_i32_0 : i32, i32
  }
  func.func @transform_2(%arg0: i32) -> (i32, i32, i32) {
    %c0_i32 = arith.constant 0 : i32
    %c0_i32_0 = arith.constant 0 : i32
    %c0_i32_1 = arith.constant 0 : i32
    return %arg0, %c0_i32, %c0_i32_0 : i32, i32, i32
  }
}

</mosaic_0001>

<sc_bundles>
// kernel: kernel.4.cloned.1.call-start
scs
__scs_entry_jumppad:
0x0: {  	(pc) =	sbr.rel $0x88, $3  }
0x1: {  	(tag) =	ssettag $0x0;
	lr =	simm.s32 $0x1  }
0x2: {  	[smem:$0x3F9F] =	sst lr;
	_ =	strace $0xD0000000  }
0x3: {  	_ = 	snop  }
0x4: {  	_ = 	snop  }
0x5: {  	_ = 	snop  }
0x6: {  	_ = 	snop  }
0x7: {  	_ = 	snop  }
__scs_overlays_trampoline_lowered:
0x8: {  	[smem:$0x3FAE] =	sst s0  }
0x9: {  	[smem:$0x3FAF] =	sst s1  }
0xa: {  	[smem:$0x3FB0] =	sst s2  }
0xb: {  	[smem:$0x3FB1] =	sst s3  }
0xc: {  	[smem:$0x3FB2] =	sst s4  }
0xd: {  	[smem:$0x3FB3] =	sst s5  }
0xe: {  	[smem:$0x3FB4] =	sst s6  }
0xf: {  	[smem:$0x3FB5] =	sst s7  }
0x10: {  	[smem:$0x3FB6] =	sst s8  }
0x11: {  	[smem:$0x3FB7] =	sst s9;
	s0 =	simm.s32 @!p0 $0x0  }
0x12: {  	s1 =	sld [smem:$0x3F9D];
	s0 =	simm.s32 @p0 $0x1  }
0x13: {  	[smem:$0x3FB8] =	sst s0;
	s0 =	simm.s32 @!p1 $0x0  }
0x14: {  	s2 =	sld [smem:$0x3F9C];
	s0 =	simm.s32 @p1 $0x1  }
0x15: {  	[smem:$0x3FB9] =	sst s0;
	s0 =	simm.s32 @!p2 $0x0  }
0x16: {  	s3 =	sld [smem:$0x3FDB];
	s0 =	simm.s32 @p2 $0x1  }
0x17: {  	s4 =	simm.s32 $0x1BF5;
	[smem:$0x3FBB] =	sst s0  }
0x18: {  	s0 =	sld [smem:$0x3F9E];
	_ =	swait.ge [sflag:s4], $0x0  }
0x19: {  	s7 =	sld [smem:$0x3F9F]  }
0x1a: {  	s8 =	sadd.s32 $0xFFFFE003, lr  }
0x1b: {  	s9 =	sadd.s32 $0xFFFFFEF7, lr;
	s5 =	simm.s32 $0xFFFFFFFF;
	p2 =	slt.u32 s8, $0xFFFFF086  }
0x1c: {  	p1 =	slt.u32 s9, $0xF7A;
	s5 =	simm.s32 @!p2 $0x0  }
0x1d: {  	s5 =	simm.s32 @p1 $0x1;
	p0 =	seq.s32 s7, s2  }
0x1e: {  	s7 =	smul.u32 @!p0 $0xF7A, s2;
	p2 =	seq.s32 @!p0 s5, $0x0  }
0x1f: {  	s9 =	smul.u32 $0xF7A, s1;
	s8 =	simm.s32 @!p0 $0x1BF5;
	p2 =	por !p2, p0  }
0x20: {  	[sflag:s8] =	ssyncset.s32 @!p0 $0xFFFFF086;
	s6 =	sadd.s32 @!p0 s3, s7;
	s7 =	simm.s32 @!p0 $0x108  }
0x21: {  	s3 =	sadd.s32 s3, s9;
	s6 =	sadd.s32 @!p0 $0x88, s6;
	s7 =	simm.s32 @p2 $0x1082  }
0x22: {  	[simem:s7], [sflag:s8] =	dma.local @!p0 [hbm:s6], $0xF7A  }
0x23: {  	s9 =	sor.u32 $0xD0000000, s2;
	s6 =	simm.s32 $0x108;
	_ =	swait.ge @!p0 [sflag:s8], $0x0  }
0x24: {  	s3 =	sadd.s32 $0x88, s3;
	s6 =	simm.s32 @!p1 $0x1082;
	[sflag:s4] =	ssyncset.s32 $0xFFFFF086  }
0x25: {  	[simem:s6], [sflag:s4] =	dma.local [hbm:s3], $0xF7A  }
0x26: {  	[smem:$0x3F9F] =	sst s1;
	(tag) =	ssettag s2;
	_ =	strace s9  }
0x27: {  	s1 =	sld [smem:$0x3FAF]  }
0x28: {  	s2 =	sld [smem:$0x3FB0]  }
0x29: {  	s4 =	sld [smem:$0x3FB2]  }
0x2a: {  	p0 =	seq.s32 s5, $0x0;
	s5 =	sld [smem:$0x3FB3]  }
0x2b: {  	s6 =	sld [smem:$0x3FB4]  }
0x2c: {  	s7 =	sld [smem:$0x3FB5]  }
0x2d: {  	s3 =	simm.s32 $0x108;
	s8 =	sld [smem:$0x3FB6]  }
0x2e: {  	s3 =	simm.s32 @!p0 $0x1082;
	s9 =	sld [smem:$0x3FB7]  }
0x2f: {  	lr =	sadd.s32 s0, s3;
	s0 =	sld [smem:$0x3FAE]  }
0x30: {  	s3 =	sld [smem:$0x3FB1]  }
0x31: {  	[smem:$0x3FBA] =	sst s10  }
0x32: {  	s10 =	sld [smem:$0x3FB8];
	_ =	sdelay $0x3  }
0x33: {  	p0 =	seq.s32 s10, $0x1;
	s10 =	sld [smem:$0x3FBA];
	_ =	sdelay $0x3  }
0x34: {  	[smem:$0x3FBA] =	sst s10  }
0x35: {  	s10 =	sld [smem:$0x3FB9];
	_ =	sdelay $0x3  }
0x36: {  	p1 =	seq.s32 s10, $0x1;
	s10 =	sld [smem:$0x3FBA];
	_ =	sdelay $0x3  }
0x37: {  	[smem:$0x3FBA] =	sst s10  }
0x38: {  	s10 =	sld [smem:$0x3FBB]  }
0x39: {  	_ = 	snop;
	(pc) =	sbr.ind lr, $3  }
0x3a: {  	_ = 	snop  }
0x3b: {  	_ = 	snop  }
0x3c: {  	p2 =	seq.s32 s10, $0x1;
	s10 =	sld [smem:$0x3FBA]  }
0x3d: {  	_ =	shalt  }
0x3e: {  	_ =	shalt  }
0x3f: {  	_ =	shalt  }
0x40: {  	_ =	shalt  }
0x41: {  	_ =	shalt  }
0x42: {  	_ =	shalt  }
0x43: {  	_ =	shalt  }
0x44: {  	_ =	shalt  }
0x45: {  	_ =	shalt  }
0x46: {  	_ =	shalt  }
0x47: {  	_ =	shalt  }
0x48: {  	_ =	shalt  }
0x49: {  	_ =	shalt  }
0x4a: {  	_ =	shalt  }
0x4b: {  	_ =	shalt  }
0x4c: {  	_ =	shalt  }
0x4d: {  	_ =	shalt  }
0x4e: {  	_ =	shalt  }
0x4f: {  	_ =	shalt  }
0x50: {  	_ =	shalt  }
0x51: {  	_ =	shalt  }
0x52: {  	_ =	shalt  }
0x53: {  	_ =	shalt  }
0x54: {  	_ =	shalt  }
0x55: {  	_ =	shalt  }
0x56: {  	_ =	shalt  }
0x57: {  	_ =	shalt  }
0x58: {  	_ =	shalt  }
0x59: {  	_ =	shalt  }
0x5a: {  	_ =	shalt  }
0x5b: {  	_ =	shalt  }
0x5c: {  	_ =	shalt  }
0x5d: {  	_ =	shalt  }
0x5e: {  	_ =	shalt  }
0x5f: {  	_ =	shalt  }
0x60: {  	_ =	shalt  }
0x61: {  	_ =	shalt  }
0x62: {  	_ =	shalt  }
0x63: {  	_ =	shalt  }
0x64: {  	_ =	shalt  }
0x65: {  	_ =	shalt  }
0x66: {  	_ =	shalt  }
0x67: {  	_ =	shalt  }
0x68: {  	_ =	shalt  }
0x69: {  	_ =	shalt  }
0x6a: {  	_ =	shalt  }
0x6b: {  	_ =	shalt  }
0x6c: {  	_ =	shalt  }
0x6d: {  	_ =	shalt  }
0x6e: {  	_ =	shalt  }
0x6f: {  	_ =	shalt  }
0x70: {  	_ =	shalt  }
0x71: {  	_ =	shalt  }
0x72: {  	_ =	shalt  }
0x73: {  	_ =	shalt  }
0x74: {  	_ =	shalt  }
0x75: {  	_ =	shalt  }
0x76: {  	_ =	shalt  }
0x77: {  	_ =	shalt  }
0x78: {  	_ =	shalt  }
0x79: {  	_ =	shalt  }
0x7a: {  	_ =	shalt  }
0x7b: {  	_ =	shalt  }
0x7c: {  	_ =	shalt  }
0x7d: {  	_ =	shalt  }
0x7e: {  	_ =	shalt  }
0x7f: {  	_ =	shalt  }
0x80: {  	_ =	shalt  }
0x81: {  	_ =	shalt  }
0x82: {  	_ =	shalt  }
0x83: {  	_ =	shalt  }
0x84: {  	_ =	shalt  }
0x85: {  	_ =	shalt  }
0x86: {  	_ =	shalt  }
0x87: {  	_ =	shalt  }
.Lfunc_end0:
.L_simem_size_0:
called_computation_lowered:
.L_overlay_start_0:
0x88: {  	s2 =	sld [smem:$0x3FD9]  }
0x89: {  	s3 =	sld [smem:$0x3FFE];
	_ =	sdelay $0x1  }
0x8a: {  	s1 =	srdreg.scid  }
0x8b: {  	s0 =	sand.u32 $0x1, s1  }
0x8c: {  	s17 =	sshll.u32 s0, $0xA;
	s2 =	sadd.s32 s3, s2  }
0x8d: {  	s2 =	sadd.s32 s2, s17  }
0x8e: {  	[smem:$0x3FC6] =	sst s2  }
0x8f: {  	_ = 	snop  }
0x90: {  	s2 =	sld [smem:$0x3FC9]  }
0x91: {  	s18 =	sld [smem:$0x3FC8];
	(tm) =	ssettm $0x1  }
0x92: {  	s4 =	sld [smem:$0x3FFB];
	_ =	sdelay $0x3  }
0x93: {  	_ =	strace s4  }
0x94: {  	s4 =	sld [smem:$0x3FFC];
	_ =	sdelay $0x3  }
0x95: {  	_ =	strace s4  }
0x96: {  	s4 =	sld [smem:$0x3FFD];
	_ =	sdelay $0x3  }
0x97: {  	_ =	strace s4  }
0x98: {  	_ =	strace $0x8FFFFFFF  }
0x99: {  	s19 =	sld [smem:$0x3FDB];
	_ =	sdelay $0x1  }
0x9a: {  	s5 =	simm.s32 $_scs_section_size  }
0x9b: {  	s6 =	simm.s32 $_size__tile_overlayer_lowered;
	s7 =	simm.s32 $_tile_overlayer_lowered  }
0x9c: {  	s22 =	simm.s32 $0x1BFF;
	s21 =	sshll.u32 s7, $0x1;
	s4 =	sadd.s32 s5, s19  }
0x9d: {  	s8 =	simm.s32 $0x0;
	s20 =	sshll.u32 s6, $0x1;
	s6 =	sadd.s32 s21, s4  }
0x9e: {  	[timem:s8], [sflag:s22] =	dma.local [hbm:s6], s20  }
0x9f: {  	_ =	swait.ge [sflag:s22], s20  }
0xa0: {  	s5 =	ssub.s32 $0x0, s20;
	[sflag:s22] =	ssyncset.done $0x0  }
0xa1: {  	[sflag:s22] =	ssyncadd.s32 s5;
	_ =	sdelay $0x1  }
0xa2: {  	s23 =	simm.s32 $0x1B8B  }
0xa3: {  	_ =	swait.ge [sflag:s23], $0x1  }
0xa4: {  	[sflag:s23] =	ssyncset.done $0x0  }
0xa5: {  	s25 =	simm.s32 $0x1B8E;
	s24 =	sld [smem:$0x3FFE];
	[sflag:s23] =	ssyncadd.s32 $0xFFFFFFFF  }
0xa6: {  	s26 =	simm.s32 $execute0_lowered;
	[smem:$0x3FD2] =	sst s25  }
0xa7: {  	s6 =	sshll.u32 s26, $0x1;
	_ =	strace $0x80000046;
	[dreg:$0x1] =	wrdreg $0xFFFFFFFF  }
0xa8: {  	s28 =	simm.s32 $_size_execute0_lowered;
	s4 =	sadd.s32 s4, s6;
	[dreg:$0x0] =	wrdreg $0x0  }
0xa9: {  	s6 =	sshll.u32 s28, $0x1;
	[dreg:$0x2] =	wrdreg s4  }
0xaa: {  	[dreg:$0x3] =	wrdreg s6  }
0xab: {  	[dreg:$0x4] =	wrdreg $0xC0  }
0xac: {  	_ =	task [dreg:s8], $0x5FFFF  }
0xad: {  	[dreg:$0x1] =	wrdreg $0xFFFFFFFF  }
0xae: {  	[dreg:$0x0] =	wrdreg $0x60  }
0xaf: {  	[dreg:$0x2] =	wrdreg s18  }
0xb0: {  	[dreg:$0x3] =	wrdreg s2  }
0xb1: {  	[dreg:$0x4] =	wrdreg s24  }
0xb2: {  	[dreg:$0x5] =	wrdreg $0x9  }
0xb3: {  	_ =	task.clear_ibuf [dreg:s8], $0x6FFFF;
	_ =	strace $0x90000046  }
0xb4: {  	s29 =	simm.s32 $0x9;
	_ =	strace $0x80000048  }
0xb5: {  	_ =	swait.ge [sflag:s29], $0x1  }
0xb6: {  	[sflag:s29] =	ssyncadd.s32 $0xFFFFFFFF  }
0xb7: {  	_ =	strace $0x90000048  }
0xb8: {  	_ =	sfence  }
0xb9: {  	s30 =	sld [smem:$0x0];
	_ =	sdelay $0x2  }
0xba: {  	s31 =	sshll.u32 s1, $0xD;
	s1 =	sshrl.u32 s1, $0x2  }
0xbb: {  	s3 =	sand.u32 $0x4000, s31;
	s1 =	sadd.s32 s1, s30  }
0xbc: {  	s0 =	sor.u32 s3, s0;
	s1 =	sshll.u32 s1, $0x11  }
0xbd: {  	s0 =	sor.u32 s1, s0  }
0xbe: {  	s0 =	sadd.s32 $0x8F2B, s0  }
0xbf: {  	[sflag:s0] =	ssyncadd.remote.s32 $0x1  }
0xc0: {  	_ =	sfence.sel $0xFFFF  }
0xc1: {  	[dreg:$0x0] =	wrdreg $0xFFFFFFFF;
	(pc) =	sbr.abs _section_cstart, $3  }
0xc2: {  	[dreg:$0x1] =	wrdreg $0xFFFFFFFF  }
0xc3: {  	_ =	task.clear_ibuf [dreg:s8], $0x2FFFF;
	_ =	strace $0x9FFFFFFF  }
0xc4: {  	(tm) =	ssettm $0x7FFFFFFF  }
0xc5: {  	_ =	shalt  }
tec
execute0_lowered:
.L_overlay_start_1:
0x0: {  	(tag) =	ssettag $0x1  }
0x1: {  	s1 =	rddreg [dreg:$0x0]  }
0x2: {  	s0 =	rddreg [dreg:$0x1]  }
0x3: {  	s2 =	rddreg [dreg:$0x2]  }
0x4: {  	s4 =	srdreg.scid;
	s5 =	stileid.u32  }
0x5: {  	s3 =	simm.s32 $0x0;
	s14 =	simm.s32 $0x5;
	s28 =	simm.s32 $0x9200  }
0x6: {  	s29 =	simm.s32 $0x4A00;
	s30 =	simm.s32 $0x5200;
	s31 =	simm.s32 $0x5A00  }
0x7: {  	s15 =	simm.s32 $0x7200;
	s16 =	simm.s32 $0x7A00;
	s17 =	simm.s32 $0x8200  }
0x8: {  	s18 =	simm.s32 $0xDA00;
	s19 =	simm.s32 $0x1;
	s4 =	sand.u32 $0x1, s4  }
0x9: {  	s5 =	sshll.u32 s5, $0x1;
	[smem:$0x7FF] =	sst s3;
	s7 =	sadd.s32 $0x600, s2  }
0xa: {  	s5 =	sor.u32 s4, s5;
	_ =	strace $0x80000047;
	s4 =	ssub.s32 $0x2, s4  }
0xb: {  	s6 =	smul.u32 $0x120, s5;
	s8 =	sshll.u32 s5, $0x4;
	s20 =	sshrl.u32 s4, $0x1  }
0xc: {  	s5 =	smul.u32 $0x2400, s5;
	s2 =	sadd.s32 s8, s2;
	s4 =	ssub.s32 s4, s20  }
0xd: {  	s20 =	simm.s32 $0x3;
	s9 =	sshrl.u32 s6, $0x3;
	s22 =	sadd.s32 $0x48, s6  }
0xe: {  	s10 =	sadd.s32 $0x90, s6;
	s6 =	sadd.s32 $0xD8, s6;
	s13 =	smax.u32 s4, $0x1  }
0xf: {  	s4 =	simm.s32 $0x8A00;
	s21 =	sadd.s32 s7, s9;
	s23 =	sshrl.u32 s22, $0x3  }
0x10: {  	s11 =	sshrl.u32 s10, $0x3;
	s12 =	sshrl.u32 s6, $0x3;
	s25 =	sshll.u32 s22, $0x5  }
0x11: {  	s10 =	sshll.u32 s10, $0x5;
	s26 =	sshll.u32 s6, $0x5;
	s22 =	simm.s32 $0x4  }
0x12: {  	[dreg:$0x4] =	wrdreg s21;
	s8 =	sadd.s32 s7, s23;
	s24 =	sadd.s32 s7, s11  }
0x13: {  	s7 =	sadd.s32 s7, s12;
	s9 =	sadd.s32 s0, s25;
	s10 =	sadd.s32 s0, s10  }
0x14: {  	v2 =	vlaneseq.u32;
	s11 =	sadd.s32 s0, s26;
	s12 =	sadd.s32 $0xC00, s2;
	s2 =	simm.s32 $0x6A00  }
0x15: {  	vm0 =	vmmov $0xffff;
	v1 =	vshrl.u32 v2, $0x3;
	s21 =	simm.s32 $0x2;
	s23 =	simm.s32 $0x0;
	[dreg:$0x5] =	wrdreg s8  }
0x16: {  	v0 =	vand.u32 $0x7, v2;
	v2 =	vor.u32 $0x8, v2;
	v1 =	vmul.u32 $0x8, v1;
	[dreg:$0x6] =	wrdreg s24;
	s8 =	sadd.s32 s0, s5;
	s0 =	simm.s32 $0x6200  }
.LBB2_1:
0x17: {  	s5 =	rddreg [dreg:$0x4]  }
0x18: {  	[tilespmem:s3], [sflag:$0x5] =	stream.linear.gather [hbm4b:s5+s3], $0x48, $0x38;
	[tilespmem:$0x12280] =	vst v63  }
0x19: {  	_ =	swait.ge [sflag:s14], $0x48  }
0x1a: {  	[sflag:s14] =	ssyncset.done $0x0  }
0x1b: {  	s6 =	simm.s32 $0x80;
	s24 =	rddreg [dreg:$0x5];
	[sflag:s14] =	ssyncadd.s32 $0xFFFFFFB8  }
0x1c: {  	[tilespmem:s6], [sflag:$0x5] =	stream.linear.gather [hbm4b:s24+s3], $0x48, $0x38;
	[tilespmem:$0x12280] =	vst v63  }
0x1d: {  	_ =	swait.ge [sflag:s14], $0x48  }
0x1e: {  	[sflag:s14] =	ssyncset.done $0x0  }
0x1f: {  	s26 =	simm.s32 $0x100;
	s25 =	rddreg [dreg:$0x6];
	[sflag:s14] =	ssyncadd.s32 $0xFFFFFFB8  }
0x20: {  	[tilespmem:s26], [sflag:$0x5] =	stream.linear.gather [hbm4b:s25+s3], $0x48, $0x38;
	[tilespmem:$0x12280] =	vst v63  }
0x21: {  	_ =	swait.ge [sflag:s14], $0x48  }
0x22: {  	[sflag:s14] =	ssyncset.done $0x0  }
0x23: {  	s6 =	simm.s32 $0x180;
	[sflag:s14] =	ssyncadd.s32 $0xFFFFFFB8  }
0x24: {  	[tilespmem:s6], [sflag:$0x5] =	stream.linear.gather [hbm4b:s7+s3], $0x48, $0x38;
	[tilespmem:$0x12280] =	vst v63  }
0x25: {  	_ =	swait.ge [sflag:s14], $0x48  }
0x26: {  	[sflag:s14] =	ssyncset.done $0x0  }
0x27: {  	[sflag:s14] =	ssyncadd.s32 $0xFFFFFFB8  }
0x28: {  	v3 =	vld [tilespmem:$0x0];
	_ =	sdelay $0x4  }
0x29: {  	v4 =	vshll.u32 v3, $0x1  }
0x2a: {  	v3 =	vand.u32 $0x7, v3;
	v4 =	vand.u32 $0xFFFFFFF0, v4  }
0x2b: {  	v3 =	vor.u32 v3, v4  }
0x2c: {  	v4 =	vperm.xlane v3, v0;
	_ =	sdelay $0x1  }
0x2d: {  	v3 =	vperm.xlane v3, v2;
	v4 =	vadd.s32 v1, v4;
	_ =	sdelay $0x1  }
0x2e: {  	v3 =	vadd.s32 v1, v3;
	_ =	sdelay $0x1  }
0x2f: {  	s24 =	simm.s32 $0x200  }
0x30: {  	[tilespmem:s24], [sflag:$0x1] =	stream.indirect_vreg.gather [hbm4b:s1+s3], $0x80, v4, vm0, $0xb8;
	[tilespmem:$0x12280] =	vst v63  }
0x31: {  	s25 =	simm.s32 $0xA00  }
0x32: {  	[tilespmem:s25], [sflag:$0x1] =	stream.indirect_vreg.gather [hbm4b:s1+s3], $0x80, v3, vm0, $0xb8;
	[tilespmem:$0x12280] =	vst v63  }
0x33: {  	v3 =	vld [tilespmem:$0x10];
	_ =	sdelay $0x4  }
0x34: {  	v4 =	vshll.u32 v3, $0x1  }
0x35: {  	v3 =	vand.u32 $0x7, v3;
	v4 =	vand.u32 $0xFFFFFFF0, v4  }
0x36: {  	v3 =	vor.u32 v3, v4  }
0x37: {  	v4 =	vperm.xlane v3, v0;
	_ =	sdelay $0x1  }
0x38: {  	v3 =	vperm.xlane v3, v2;
	v4 =	vadd.s32 v1, v4;
	_ =	sdelay $0x1  }
0x39: {  	v3 =	vadd.s32 v1, v3;
	_ =	sdelay $0x1  }
0x3a: {  	s26 =	simm.s32 $0x1200  }
0x3b: {  	[tilespmem:s26], [sflag:$0x1] =	stream.indirect_vreg.gather [hbm4b:s1+s3], $0x80, v4, vm0, $0xb8;
	[tilespmem:$0x12280] =	vst v63  }
0x3c: {  	s6 =	simm.s32 $0x1A00  }
0x3d: {  	[tilespmem:s6], [sflag:$0x1] =	stream.indirect_vreg.gather [hbm4b:s1+s3], $0x80, v3, vm0, $0xb8;
	[tilespmem:$0x12280] =	vst v63  }
0x3e: {  	v3 =	vld [tilespmem:$0x20];
	_ =	sdelay $0x4  }
0x3f: {  	v4 =	vshll.u32 v3, $0x1  }
0x40: {  	v3 =	vand.u32 $0x7, v3;
	v4 =	vand.u32 $0xFFFFFFF0, v4  }
0x41: {  	v3 =	vor.u32 v3, v4  }
0x42: {  	v4 =	vperm.xlane v3, v0;
	_ =	sdelay $0x1  }
0x43: {  	v3 =	vperm.xlane v3, v2;
	v4 =	vadd.s32 v1, v4;
	_ =	sdelay $0x1  }
0x44: {  	v3 =	vadd.s32 v1, v3;
	_ =	sdelay $0x1  }
0x45: {  	s24 =	simm.s32 $0x2200  }
0x46: {  	[tilespmem:s24], [sflag:$0x1] =	stream.indirect_vreg.gather [hbm4b:s1+s3], $0x80, v4, vm0, $0xb8;
	[tilespmem:$0x12280] =	vst v63  }
0x47: {  	s25 =	simm.s32 $0x2A00  }
0x48: {  	[tilespmem:s25], [sflag:$0x1] =	stream.indirect_vreg.gather [hbm4b:s1+s3], $0x80, v3, vm0, $0xb8;
	[tilespmem:$0x12280] =	vst v63  }
0x49: {  	v3 =	vld [tilespmem:$0x30];
	_ =	sdelay $0x4  }
0x4a: {  	v4 =	vshll.u32 v3, $0x1  }
0x4b: {  	v3 =	vand.u32 $0x7, v3;
	v4 =	vand.u32 $0xFFFFFFF0, v4  }
0x4c: {  	v3 =	vor.u32 v3, v4  }
0x4d: {  	v4 =	vperm.xlane v3, v0;
	_ =	sdelay $0x1  }
0x4e: {  	v3 =	vperm.xlane v3, v2;
	v4 =	vadd.s32 v1, v4;
	_ =	sdelay $0x1  }
0x4f: {  	v3 =	vadd.s32 v1, v3;
	_ =	sdelay $0x1  }
0x50: {  	s26 =	simm.s32 $0x3200  }
0x51: {  	[tilespmem:s26], [sflag:$0x1] =	stream.indirect_vreg.gather [hbm4b:s1+s3], $0x80, v4, vm0, $0xb8;
	[tilespmem:$0x12280] =	vst v63  }
0x52: {  	s6 =	simm.s32 $0x3A00  }
0x53: {  	[tilespmem:s6], [sflag:$0x1] =	stream.indirect_vreg.gather [hbm4b:s1+s3], $0x80, v3, vm0, $0xb8;
	[tilespmem:$0x12280] =	vst v63  }
0x54: {  	v3 =	vld.msk [tilespmem:$0x40], $0xff;
	_ =	sdelay $0x4  }
0x55: {  	v4 =	vshll.u32 v3, $0x1  }
0x56: {  	v3 =	vand.u32 $0x7, v3;
	v4 =	vand.u32 $0xFFFFFFF0, v4  }
0x57: {  	v3 =	vor.u32 v3, v4  }
0x58: {  	v3 =	vperm.xlane v3, v0;
	_ =	sdelay $0x1  }
0x59: {  	v3 =	vadd.s32 v1, v3;
	_ =	sdelay $0x3  }
0x5a: {  	s24 =	simm.s32 $0x4200  }
0x5b: {  	[tilespmem:s24], [sflag:$0x1] =	stream.indirect_vreg.gather [hbm4b:s1+s3], $0x80, v3, vm0, $0xb8;
	[tilespmem:$0x12280] =	vst v63  }
0x5c: {  	_ = 	snop  }
0x5d: {  	[tilespmem:s28], [sflag:$0x3] =	stream.linear.gather [hbm4b:s8+s3], $0x4800, $0x38;
	[tilespmem:$0x12280] =	vst v63  }
0x5e: {  	v3 =	vld [tilespmem:$0x80];
	_ =	sdelay $0x4  }
0x5f: {  	v4 =	vshll.u32 v3, $0x1  }
0x60: {  	v3 =	vand.u32 $0x7, v3;
	v4 =	vand.u32 $0xFFFFFFF0, v4  }
0x61: {  	v3 =	vor.u32 v3, v4  }
0x62: {  	v4 =	vperm.xlane v3, v0;
	_ =	sdelay $0x1  }
0x63: {  	v3 =	vperm.xlane v3, v2;
	v4 =	vadd.s32 v1, v4;
	_ =	sdelay $0x1  }
0x64: {  	v3 =	vadd.s32 v1, v3;
	_ =	sdelay $0x2  }
0x65: {  	[tilespmem:s29], [sflag:$0x2] =	stream.indirect_vreg.gather [hbm4b:s1+s3], $0x80, v4, vm0, $0xb8;
	[tilespmem:$0x12280] =	vst v63  }
0x66: {  	_ = 	snop  }
0x67: {  	[tilespmem:s30], [sflag:$0x2] =	stream.indirect_vreg.gather [hbm4b:s1+s3], $0x80, v3, vm0, $0xb8;
	[tilespmem:$0x12280] =	vst v63  }
0x68: {  	v3 =	vld [tilespmem:$0x90];
	_ =	sdelay $0x4  }
0x69: {  	v4 =	vshll.u32 v3, $0x1  }
0x6a: {  	v3 =	vand.u32 $0x7, v3;
	v4 =	vand.u32 $0xFFFFFFF0, v4  }
0x6b: {  	v3 =	vor.u32 v3, v4  }
0x6c: {  	v4 =	vperm.xlane v3, v0;
	_ =	sdelay $0x1  }
0x6d: {  	v3 =	vperm.xlane v3, v2;
	v4 =	vadd.s32 v1, v4;
	_ =	sdelay $0x1  }
0x6e: {  	v3 =	vadd.s32 v1, v3;
	_ =	sdelay $0x2  }
0x6f: {  	[tilespmem:s31], [sflag:$0x2] =	stream.indirect_vreg.gather [hbm4b:s1+s3], $0x80, v4, vm0, $0xb8;
	[tilespmem:$0x12280] =	vst v63  }
0x70: {  	_ = 	snop  }
0x71: {  	[tilespmem:s0], [sflag:$0x2] =	stream.indirect_vreg.gather [hbm4b:s1+s3], $0x80, v3, vm0, $0xb8;
	[tilespmem:$0x12280] =	vst v63  }
0x72: {  	v3 =	vld [tilespmem:$0xA0];
	_ =	sdelay $0x4  }
0x73: {  	v4 =	vshll.u32 v3, $0x1  }
0x74: {  	v3 =	vand.u32 $0x7, v3;
	v4 =	vand.u32 $0xFFFFFFF0, v4  }
0x75: {  	v3 =	vor.u32 v3, v4  }
0x76: {  	v4 =	vperm.xlane v3, v0;
	_ =	sdelay $0x1  }
0x77: {  	v3 =	vperm.xlane v3, v2;
	v4 =	vadd.s32 v1, v4;
	_ =	sdelay $0x1  }
0x78: {  	v3 =	vadd.s32 v1, v3;
	_ =	sdelay $0x2  }
0x79: {  	[tilespmem:s2], [sflag:$0x2] =	stream.indirect_vreg.gather [hbm4b:s1+s3], $0x80, v4, vm0, $0xb8;
	[tilespmem:$0x12280] =	vst v63  }
0x7a: {  	_ = 	snop  }
0x7b: {  	[tilespmem:s15], [sflag:$0x2] =	stream.indirect_vreg.gather [hbm4b:s1+s3], $0x80, v3, vm0, $0xb8;
	[tilespmem:$0x12280] =	vst v63  }
0x7c: {  	v3 =	vld [tilespmem:$0xB0];
	_ =	sdelay $0x4  }
0x7d: {  	v4 =	vshll.u32 v3, $0x1  }
0x7e: {  	v3 =	vand.u32 $0x7, v3;
	v4 =	vand.u32 $0xFFFFFFF0, v4  }
0x7f: {  	v3 =	vor.u32 v3, v4  }
0x80: {  	v4 =	vperm.xlane v3, v0;
	_ =	sdelay $0x1  }
0x81: {  	v3 =	vperm.xlane v3, v2;
	v4 =	vadd.s32 v1, v4;
	_ =	sdelay $0x1  }
0x82: {  	v3 =	vadd.s32 v1, v3;
	_ =	sdelay $0x2  }
0x83: {  	[tilespmem:s16], [sflag:$0x2] =	stream.indirect_vreg.gather [hbm4b:s1+s3], $0x80, v4, vm0, $0xb8;
	[tilespmem:$0x12280] =	vst v63  }
0x84: {  	_ = 	snop  }
0x85: {  	[tilespmem:s17], [sflag:$0x2] =	stream.indirect_vreg.gather [hbm4b:s1+s3], $0x80, v3, vm0, $0xb8;
	[tilespmem:$0x12280] =	vst v63  }
0x86: {  	v3 =	vld.msk [tilespmem:$0xC0], $0xff;
	_ =	sdelay $0x4  }
0x87: {  	v4 =	vshll.u32 v3, $0x1  }
0x88: {  	v3 =	vand.u32 $0x7, v3;
	v4 =	vand.u32 $0xFFFFFFF0, v4  }
0x89: {  	v3 =	vor.u32 v3, v4  }
0x8a: {  	v3 =	vperm.xlane v3, v0;
	_ =	sdelay $0x1  }
0x8b: {  	v3 =	vadd.s32 v1, v3;
	_ =	sdelay $0x4  }
0x8c: {  	[tilespmem:s4], [sflag:$0x2] =	stream.indirect_vreg.gather [hbm4b:s1+s3], $0x80, v3, vm0, $0xb8;
	[tilespmem:$0x12280] =	vst v63  }
0x8d: {  	_ = 	snop  }
0x8e: {  	[tilespmem:s18], [sflag:$0x4] =	stream.linear.gather [hbm4b:s9+s3], $0x4800, $0x38;
	[tilespmem:$0x12280] =	vst v63  }
0x8f: {  	_ =	swait.ge [sflag:s19], $0x4800  }
0x90: {  	[sflag:s19] =	ssyncset.done $0x0  }
0x91: {  	[sflag:s19] =	ssyncadd.s32 $0xFFFFB800  }
0x92: {  	_ =	swait.ge [sflag:s20], $0x4800  }
0x93: {  	s25 =	sand.u32 $0x7800, s3;
	s26 =	sand.u32 $0x380, s3;
	[sflag:s20] =	ssyncset.done $0x0  }
0x94: {  	s6 =	sor.u32 s26, s25;
	[sflag:s20] =	ssyncadd.s32 $0xFFFFB800  }
0x95: {  	v3 =	vld [tilespmem:s6+$0x9200]  }
0x96: {  	v4 =	vld [tilespmem:s6+$0x200]  }
0x97: {  	v5 =	vld [tilespmem:s6+$0x9210]  }
0x98: {  	v6 =	vld [tilespmem:s6+$0x210]  }
0x99: {  	v7 =	vld [tilespmem:s6+$0x9220]  }
0x9a: {  	v8 =	vld [tilespmem:s6+$0x220]  }
0x9b: {  	v9 =	vld [tilespmem:s6+$0x9230];
	v3 =	vsub.f32 v3, v4  }
0x9c: {  	v4 =	vld [tilespmem:s6+$0x230]  }
0x9d: {  	v10 =	vld [tilespmem:s6+$0x9240];
	v5 =	vsub.f32 v5, v6;
	v3 =	vmul.f32 v3, v3  }
0x9e: {  	v11 =	vimm.f32 $0.0e+00;
	v6 =	vld [tilespmem:s6+$0x240]  }
0x9f: {  	v12 =	vld [tilespmem:s6+$0x9250];
	v7 =	vsub.f32 v7, v8;
	v5 =	vmul.f32 v5, v5;
	v3 =	vadd.f32 v3, v11  }
0xa0: {  	v8 =	vld [tilespmem:s6+$0x250]  }
0xa1: {  	v11 =	vld [tilespmem:s6+$0x9260];
	v4 =	vsub.f32 v9, v4;
	v3 =	vadd.f32 v5, v3;
	v5 =	vmul.f32 v7, v7  }
0xa2: {  	v7 =	vld [tilespmem:s6+$0x260]  }
0xa3: {  	v9 =	vld [tilespmem:s6+$0x9270];
	v4 =	vmul.f32 v4, v4;
	v3 =	vadd.f32 v5, v3;
	v5 =	vsub.f32 v10, v6  }
0xa4: {  	v6 =	vld [tilespmem:s6+$0x270]  }
0xa5: {  	v10 =	vld [tilespmem:s6+$0x9600];
	v3 =	vadd.f32 v4, v3;
	v4 =	vmul.f32 v5, v5;
	v5 =	vsub.f32 v12, v8  }
0xa6: {  	v8 =	vld [tilespmem:s6+$0x600]  }
0xa7: {  	v62 =	vld [tilespmem:s6+$0x9610];
	v3 =	vadd.f32 v4, v3;
	v4 =	vmul.f32 v5, v5;
	v5 =	vsub.f32 v11, v7  }
0xa8: {  	v7 =	vld [tilespmem:s6+$0x610]  }
0xa9: {  	v11 =	vld [tilespmem:s6+$0x9620];
	v3 =	vadd.f32 v4, v3;
	v4 =	vmul.f32 v5, v5;
	v5 =	vsub.f32 v9, v6  }
0xaa: {  	v6 =	vld [tilespmem:s6+$0x620]  }
0xab: {  	v9 =	vld [tilespmem:s6+$0x9630];
	v3 =	vadd.f32 v4, v3;
	v4 =	vmul.f32 v5, v5;
	v5 =	vsub.f32 v10, v8  }
0xac: {  	v8 =	vld [tilespmem:s6+$0x630]  }
0xad: {  	v13 =	vld [tilespmem:s6+$0x9640];
	v7 =	vsub.f32 v62, v7;
	v3 =	vadd.f32 v4, v3;
	v5 =	vmul.f32 v5, v5  }
0xae: {  	v63 =	vld [tilespmem:s6+$0x640]  }
0xaf: {  	v4 =	vld [tilespmem:s6+$0x9650];
	v7 =	vmul.f32 v7, v7;
	v6 =	vsub.f32 v11, v6;
	v10 =	vadd.f32 v5, v3  }
0xb0: {  	v5 =	vld [tilespmem:s6+$0x650]  }
0xb1: {  	v3 =	vld [tilespmem:s6+$0x9660];
	v11 =	vmul.f32 v6, v6;
	v8 =	vsub.f32 v9, v8;
	v10 =	vadd.f32 v7, v10  }
0xb2: {  	s5 =	simm.s32 $0x80;
	s24 =	simm.s32 $0x100;
	v6 =	vld [tilespmem:s6+$0x660]  }
0xb3: {  	s25 =	sand.u32 $0x380, s5;
	s24 =	sand.u32 $0x7800, s24;
	v9 =	vsub.f32 v13, v63;
	v7 =	vld [tilespmem:s6+$0x9670];
	v10 =	vadd.f32 v11, v10;
	v11 =	vmul.f32 v8, v8  }
0xb4: {  	s24 =	sor.u32 s25, s24;
	s25 =	simm.s32 $0x200;
	v8 =	vld [tilespmem:s6+$0x670]  }
.LBB2_2:
0xb5: {  	p0 =	sne.s32 s25, $0x4700;
	v12 =	vld [tilespmem:s24+$0x9200];
	v10 =	vadd.f32 v11, v10;
	v9 =	vmul.f32 v9, v9;
	v4 =	vsub.f32 v4, v5  }
0xb6: {  	v5 =	vld [tilespmem:s24+$0x200]  }
0xb7: {  	v11 =	vld [tilespmem:s24+$0x9210];
	v9 =	vadd.f32 v9, v10;
	v4 =	vmul.f32 v4, v4;
	v3 =	vsub.f32 v3, v6  }
0xb8: {  	v6 =	vld [tilespmem:s24+$0x210]  }
0xb9: {  	v10 =	vld [tilespmem:s24+$0x9220];
	v4 =	vadd.f32 v4, v9;
	v3 =	vmul.f32 v3, v3;
	v7 =	vsub.f32 v7, v8  }
0xba: {  	v8 =	vld [tilespmem:s24+$0x220]  }
0xbb: {  	v5 =	vsub.f32 v12, v5;
	v9 =	vld [tilespmem:s24+$0x9230];
	v3 =	vadd.f32 v3, v4;
	v4 =	vmul.f32 v7, v7  }
0xbc: {  	v7 =	vld [tilespmem:s24+$0x230]  }
0xbd: {  	v5 =	vmul.f32 v5, v5;
	v6 =	vsub.f32 v11, v6;
	v11 =	vld [tilespmem:s24+$0x9240];
	v3 =	vadd.f32 v4, v3  }
0xbe: {  	v4 =	vld [tilespmem:s24+$0x240]  }
0xbf: {  	v3 =	vadd.f32 v5, v3;
	v5 =	vmul.f32 v6, v6;
	v6 =	vsub.f32 v10, v8;
	v8 =	vld [tilespmem:s24+$0x9250]  }
0xc0: {  	v10 =	vld [tilespmem:s24+$0x250]  }
0xc1: {  	v3 =	vadd.f32 v5, v3;
	v5 =	vmul.f32 v6, v6;
	v6 =	vsub.f32 v9, v7;
	v7 =	vld [tilespmem:s24+$0x9260]  }
0xc2: {  	v9 =	vld [tilespmem:s24+$0x260]  }
0xc3: {  	v3 =	vadd.f32 v5, v3;
	v5 =	vmul.f32 v6, v6;
	v4 =	vsub.f32 v11, v4;
	v6 =	vld [tilespmem:s24+$0x9270]  }
0xc4: {  	v11 =	vld [tilespmem:s24+$0x270]  }
0xc5: {  	v3 =	vadd.f32 v5, v3;
	v4 =	vmul.f32 v4, v4;
	v5 =	vsub.f32 v8, v10;
	v8 =	vld [tilespmem:s24+$0x9600]  }
0xc6: {  	v10 =	vld [tilespmem:s24+$0x600]  }
0xc7: {  	v3 =	vadd.f32 v4, v3;
	v4 =	vmul.f32 v5, v5;
	v5 =	vsub.f32 v7, v9;
	v7 =	vld [tilespmem:s24+$0x9610]  }
0xc8: {  	v9 =	vld [tilespmem:s24+$0x610]  }
0xc9: {  	v3 =	vadd.f32 v4, v3;
	v4 =	vmul.f32 v5, v5;
	v5 =	vsub.f32 v6, v11;
	v6 =	vld [tilespmem:s24+$0x9620]  }
0xca: {  	v11 =	vld [tilespmem:s24+$0x620]  }
0xcb: {  	v3 =	vadd.f32 v4, v3;
	v4 =	vmul.f32 v5, v5;
	v5 =	vsub.f32 v8, v10;
	v8 =	vld [tilespmem:s24+$0x9630]  }
0xcc: {  	v10 =	vld [tilespmem:s24+$0x630]  }
0xcd: {  	v3 =	vadd.f32 v4, v3;
	v4 =	vmul.f32 v5, v5;
	v5 =	vsub.f32 v7, v9;
	v7 =	vld [tilespmem:s24+$0x9640]  }
0xce: {  	v9 =	vld [tilespmem:s24+$0x640]  }
0xcf: {  	v3 =	vadd.f32 v4, v3;
	v12 =	vmul.f32 v5, v5;
	v6 =	vsub.f32 v6, v11;
	v4 =	vld [tilespmem:s24+$0x9650]  }
.Ltmp0:
0xd0: {  	v5 =	vld [tilespmem:s24+$0x650];
	(pc) =	sbr.rel @p0 .LBB2_2-.Ltmp0, $4  }
0xd1: {  	v11 =	vadd.f32 v12, v3;
	v12 =	vmul.f32 v6, v6;
	v8 =	vsub.f32 v8, v10;
	v3 =	vld [tilespmem:s24+$0x9660]  }
0xd2: {  	s5 =	sadd.s32 $0x80, s5;
	v6 =	vld [tilespmem:s24+$0x660]  }
0xd3: {  	s6 =	sand.u32 $0x7800, s25;
	s26 =	sand.u32 $0x380, s5;
	v10 =	vadd.f32 v12, v11;
	v11 =	vmul.f32 v8, v8;
	v9 =	vsub.f32 v7, v9;
	v7 =	vld [tilespmem:s24+$0x9670]  }
0xd4: {  	s25 =	sadd.s32 $0x100, s25;
	v8 =	vld [tilespmem:s24+$0x670];
	s24 =	sor.u32 s26, s6  }
0xd5: {  	v12 =	vld [tilespmem:s24+$0x9200]  }
0xd6: {  	v13 =	vld [tilespmem:s24+$0x200]  }
0xd7: {  	v14 =	vld [tilespmem:s24+$0x9210]  }
0xd8: {  	v15 =	vld [tilespmem:s24+$0x210]  }
0xd9: {  	v16 =	vld [tilespmem:s24+$0x9220]  }
0xda: {  	v17 =	vld [tilespmem:s24+$0x220]  }
0xdb: {  	v18 =	vld [tilespmem:s24+$0x9230]  }
0xdc: {  	v19 =	vld [tilespmem:s24+$0x230]  }
0xdd: {  	v20 =	vld [tilespmem:s24+$0x9240]  }
0xde: {  	v21 =	vld [tilespmem:s24+$0x240]  }
0xdf: {  	v22 =	vld [tilespmem:s24+$0x9250]  }
0xe0: {  	v23 =	vld [tilespmem:s24+$0x250]  }
0xe1: {  	v24 =	vld [tilespmem:s24+$0x9260]  }
0xe2: {  	v25 =	vld [tilespmem:s24+$0x260]  }
0xe3: {  	v26 =	vld [tilespmem:s24+$0x9270]  }
0xe4: {  	v27 =	vld [tilespmem:s24+$0x270]  }
0xe5: {  	v28 =	vld [tilespmem:s24+$0x9600]  }
0xe6: {  	v30 =	vld [tilespmem:$0x100]  }
0xe7: {  	v29 =	vld [tilespmem:s24+$0x600]  }
0xe8: {  	v31 =	vld [tilespmem:s24+$0x9610]  }
0xe9: {  	v32 =	vld [tilespmem:s24+$0x610]  }
0xea: {  	v33 =	vld [tilespmem:s24+$0x9620]  }
0xeb: {  	v34 =	vld [tilespmem:s24+$0x620];
	v36 =	vshll.u32 v30, $0x1  }
0xec: {  	v35 =	vld [tilespmem:s24+$0x9630];
	v30 =	vand.u32 $0x7, v30;
	v36 =	vand.u32 $0xFFFFFFF0, v36  }
0xed: {  	v37 =	vld [tilespmem:s24+$0x630];
	v30 =	vor.u32 v30, v36  }
0xee: {  	v38 =	vld [tilespmem:s24+$0x9640];
	v39 =	vperm.xlane v30, v0  }
0xef: {  	v55 =	vld [tilespmem:s24+$0x640]  }
0xf0: {  	v40 =	vld [tilespmem:s24+$0x9650];
	v30 =	vperm.xlane v30, v2;
	v39 =	vadd.s32 v1, v39  }
0xf1: {  	v41 =	vld [tilespmem:s24+$0x650]  }
0xf2: {  	v42 =	vld [tilespmem:s24+$0x9660];
	v30 =	vadd.s32 v1, v30  }
0xf3: {  	v43 =	vld [tilespmem:s24+$0x660]  }
0xf4: {  	v44 =	vld [tilespmem:s24+$0x9670];
	s5 =	simm.s32 $0x0;
	s6 =	simm.s32 $0x200  }
0xf5: {  	v45 =	vld [tilespmem:s24+$0x670];
	[tilespmem:s6], [sflag:$0x1] =	stream.indirect_vreg.gather [hbm4b:s1+s5], $0x80, v39, vm0, $0xb8  }
0xf6: {  	s26 =	simm.s32 $0xA00  }
0xf7: {  	[tilespmem:s26], [sflag:$0x1] =	stream.indirect_vreg.gather [hbm4b:s1+s5], $0x80, v30, vm0, $0xb8;
	[tilespmem:$0x12280] =	vst v63  }
0xf8: {  	v30 =	vld [tilespmem:$0x110];
	_ =	sdelay $0x4  }
0xf9: {  	v56 =	vshll.u32 v30, $0x1  }
0xfa: {  	v30 =	vand.u32 $0x7, v30;
	v39 =	vand.u32 $0xFFFFFFF0, v56  }
0xfb: {  	v30 =	vor.u32 v30, v39  }
0xfc: {  	v39 =	vperm.xlane v30, v0;
	_ =	sdelay $0x1  }
0xfd: {  	v30 =	vperm.xlane v30, v2;
	v39 =	vadd.s32 v1, v39;
	_ =	sdelay $0x1  }
0xfe: {  	v30 =	vadd.s32 v1, v30;
	_ =	sdelay $0x1  }
0xff: {  	s24 =	simm.s32 $0x1200  }
0x100: {  	[tilespmem:s24], [sflag:$0x1] =	stream.indirect_vreg.gather [hbm4b:s1+s5], $0x80, v39, vm0, $0xb8;
	[tilespmem:$0x12280] =	vst v63  }
0x101: {  	s25 =	simm.s32 $0x1A00  }
0x102: {  	[tilespmem:s25], [sflag:$0x1] =	stream.indirect_vreg.gather [hbm4b:s1+s5], $0x80, v30, vm0, $0xb8;
	[tilespmem:$0x12280] =	vst v63  }
0x103: {  	v30 =	vld [tilespmem:$0x120];
	_ =	sdelay $0x4  }
0x104: {  	v57 =	vshll.u32 v30, $0x1  }
0x105: {  	v30 =	vand.u32 $0x7, v30;
	v39 =	vand.u32 $0xFFFFFFF0, v57  }
0x106: {  	v30 =	vor.u32 v30, v39  }
0x107: {  	v39 =	vperm.xlane v30, v0;
	_ =	sdelay $0x1  }
0x108: {  	v30 =	vperm.xlane v30, v2;
	v39 =	vadd.s32 v1, v39;
	_ =	sdelay $0x1  }
0x109: {  	v30 =	vadd.s32 v1, v30;
	_ =	sdelay $0x1  }
0x10a: {  	s26 =	simm.s32 $0x2200  }
0x10b: {  	[tilespmem:s26], [sflag:$0x1] =	stream.indirect_vreg.gather [hbm4b:s1+s5], $0x80, v39, vm0, $0xb8;
	[tilespmem:$0x12280] =	vst v63  }
0x10c: {  	s24 =	simm.s32 $0x2A00  }
0x10d: {  	[tilespmem:s24], [sflag:$0x1] =	stream.indirect_vreg.gather [hbm4b:s1+s5], $0x80, v30, vm0, $0xb8;
	[tilespmem:$0x12280] =	vst v63  }
0x10e: {  	v30 =	vld [tilespmem:$0x130];
	_ =	sdelay $0x4  }
0x10f: {  	v58 =	vshll.u32 v30, $0x1  }
0x110: {  	v10 =	vadd.f32 v11, v10;
	v11 =	vand.u32 $0x7, v30;
	v59 =	vand.u32 $0xFFFFFFF0, v58  }
0x111: {  	v4 =	vsub.f32 v4, v5;
	v5 =	vmul.f32 v9, v9;
	v9 =	vor.u32 v11, v59  }
0x112: {  	v11 =	vperm.xlane v9, v0  }
0x113: {  	v5 =	vadd.f32 v5, v10;
	v4 =	vmul.f32 v4, v4  }
0x114: {  	v3 =	vsub.f32 v3, v6;
	v9 =	vperm.xlane v9, v2;
	v6 =	vadd.s32 v1, v11  }
0x115: {  	v4 =	vadd.f32 v4, v5  }
0x116: {  	v5 =	vsub.f32 v7, v8;
	v3 =	vmul.f32 v3, v3;
	v7 =	vadd.s32 v1, v9;
	_ =	sdelay $0x1  }
0x117: {  	v8 =	vsub.f32 v12, v13;
	v3 =	vadd.f32 v3, v4;
	v4 =	vmul.f32 v5, v5;
	s25 =	simm.s32 $0x3200  }
0x118: {  	[tilespmem:s25], [sflag:$0x1] =	stream.indirect_vreg.gather [hbm4b:s1+s5], $0x80, v6, vm0, $0xb8;
	[tilespmem:$0x12280] =	vst v63  }
0x119: {  	v5 =	vsub.f32 v14, v15;
	v3 =	vadd.f32 v4, v3;
	v4 =	vmul.f32 v8, v8;
	s26 =	simm.s32 $0x3A00  }
0x11a: {  	[tilespmem:s26], [sflag:$0x1] =	stream.indirect_vreg.gather [hbm4b:s1+s5], $0x80, v7, vm0, $0xb8;
	[tilespmem:$0x12280] =	vst v63  }
0x11b: {  	v3 =	vadd.f32 v4, v3;
	v4 =	vmul.f32 v5, v5;
	v5 =	vsub.f32 v16, v17;
	v6 =	vld.msk [tilespmem:$0x140], $0xff;
	_ =	sdelay $0x1  }
0x11c: {  	v3 =	vadd.f32 v4, v3;
	v4 =	vmul.f32 v5, v5  }
0x11d: {  	v5 =	vsub.f32 v18, v19  }
0x11e: {  	v3 =	vadd.f32 v4, v3  }
0x11f: {  	v4 =	vmul.f32 v5, v5;
	v5 =	vsub.f32 v20, v21;
	v7 =	vshll.u32 v6, $0x1  }
0x120: {  	v6 =	vand.u32 $0x7, v6;
	v7 =	vand.u32 $0xFFFFFFF0, v7  }
0x121: {  	v3 =	vadd.f32 v4, v3;
	v5 =	vmul.f32 v5, v5;
	v4 =	vor.u32 v6, v7  }
0x122: {  	v6 =	vsub.f32 v22, v23;
	v4 =	vperm.xlane v4, v0  }
0x123: {  	v3 =	vadd.f32 v5, v3  }
0x124: {  	v5 =	vsub.f32 v24, v25;
	v6 =	vmul.f32 v6, v6;
	v4 =	vadd.s32 v1, v4;
	_ =	sdelay $0x1  }
0x125: {  	v5 =	vmul.f32 v5, v5;
	v3 =	vadd.f32 v6, v3  }
0x126: {  	v6 =	vsub.f32 v26, v27  }
0x127: {  	s24 =	simm.s32 $0x4200;
	v3 =	vadd.f32 v5, v3  }
0x128: {  	v5 =	vsub.f32 v28, v29;
	[tilespmem:s24], [sflag:$0x1] =	stream.indirect_vreg.gather [hbm4b:s1+s5], $0x80, v4, vm0, $0xb8;
	v4 =	vmul.f32 v6, v6;
	[tilespmem:$0x12280] =	vst v63  }
0x129: {  	_ = 	snop  }
0x12a: {  	v5 =	vmul.f32 v5, v5;
	v3 =	vadd.f32 v4, v3;
	v4 =	vsub.f32 v31, v32  }
0x12b: {  	[tilespmem:s28], [sflag:$0x3] =	stream.linear.gather [hbm4b:s10+s5], $0x4800, $0x38;
	[tilespmem:$0x12280] =	vst v63  }
0x12c: {  	_ =	swait.ge [sflag:s21], $0x4800;
	v3 =	vadd.f32 v5, v3;
	v5 =	vsub.f32 v33, v34;
	v4 =	vmul.f32 v4, v4  }
0x12d: {  	[sflag:s21] =	ssyncset.done $0x0  }
0x12e: {  	[sflag:s21] =	ssyncadd.s32 $0xFFFFB800;
	v3 =	vadd.f32 v4, v3;
	v4 =	vsub.f32 v35, v37;
	v5 =	vmul.f32 v5, v5  }
0x12f: {  	_ =	swait.ge [sflag:s22], $0x4800  }
0x130: {  	s25 =	sand.u32 $0x7800, s5;
	s5 =	sand.u32 $0x380, s5;
	[sflag:s22] =	ssyncset.done $0x0;
	v3 =	vadd.f32 v5, v3;
	v4 =	vmul.f32 v4, v4;
	v5 =	vsub.f32 v38, v55  }
0x131: {  	s6 =	sor.u32 s5, s25;
	[sflag:s22] =	ssyncadd.s32 $0xFFFFB800  }
0x132: {  	v6 =	vld [tilespmem:s6+$0xDA00];
	v3 =	vadd.f32 v4, v3;
	v4 =	vmul.f32 v5, v5;
	v5 =	vsub.f32 v40, v41  }
0x133: {  	v7 =	vld [tilespmem:s6+$0x4A00]  }
0x134: {  	v8 =	vld [tilespmem:s6+$0xDA10];
	v3 =	vadd.f32 v4, v3;
	v4 =	vmul.f32 v5, v5;
	v5 =	vsub.f32 v42, v43  }
0x135: {  	v9 =	vld [tilespmem:s6+$0x4A10]  }
0x136: {  	v10 =	vld [tilespmem:s6+$0xDA20];
	v3 =	vadd.f32 v4, v3;
	v4 =	vmul.f32 v5, v5;
	v5 =	vsub.f32 v44, v45  }
0x137: {  	v11 =	vld [tilespmem:s6+$0x4A20]  }
0x138: {  	v60 =	vld [tilespmem:s6+$0xDA30];
	v3 =	vadd.f32 v4, v3;
	v4 =	vmul.f32 v5, v5;
	v5 =	vsub.f32 v6, v7  }
0x139: {  	v6 =	vld [tilespmem:s6+$0x4A30]  }
0x13a: {  	v7 =	vld [tilespmem:s6+$0xDA40];
	v3 =	vadd.f32 v4, v3;
	v4 =	vmul.f32 v5, v5;
	v5 =	vsub.f32 v8, v9  }
0x13b: {  	v8 =	vld [tilespmem:s6+$0x4A40]  }
0x13c: {  	v9 =	vld [tilespmem:s6+$0xDA50];
	v3 =	vadd.f32 v4, v3;
	v4 =	vmul.f32 v5, v5;
	v5 =	vsub.f32 v10, v11  }
0x13d: {  	v10 =	vld [tilespmem:s6+$0x4A50]  }
0x13e: {  	v11 =	vld [tilespmem:s6+$0xDA60];
	v3 =	vadd.f32 v4, v3;
	v4 =	vmul.f32 v5, v5;
	v5 =	vsub.f32 v60, v6  }
0x13f: {  	v6 =	vld [tilespmem:s6+$0x4A60]  }
0x140: {  	v61 =	vld [tilespmem:s6+$0xDA70];
	v3 =	vadd.f32 v4, v3;
	v4 =	vmul.f32 v5, v5;
	v5 =	vsub.f32 v7, v8  }
0x141: {  	v7 =	vld [tilespmem:s6+$0x4A70]  }
0x142: {  	v8 =	vld [tilespmem:s6+$0xDE00];
	v3 =	vadd.f32 v4, v3;
	v4 =	vmul.f32 v5, v5;
	v5 =	vsub.f32 v9, v10  }
0x143: {  	v9 =	vld [tilespmem:s6+$0x4E00]  }
0x144: {  	v10 =	vld [tilespmem:s6+$0xDE10];
	v3 =	vadd.f32 v4, v3;
	v4 =	vmul.f32 v5, v5;
	v5 =	vsub.f32 v11, v6  }
0x145: {  	v6 =	vld [tilespmem:s6+$0x4E10]  }
0x146: {  	v11 =	vld [tilespmem:s6+$0xDE20];
	v3 =	vadd.f32 v4, v3;
	v4 =	vmul.f32 v5, v5;
	v5 =	vsub.f32 v61, v7  }
0x147: {  	v7 =	vld [tilespmem:s6+$0x4E20]  }
0x148: {  	v62 =	vld [tilespmem:s6+$0xDE30];
	v3 =	vadd.f32 v4, v3;
	v4 =	vmul.f32 v5, v5;
	v5 =	vsub.f32 v8, v9  }
0x149: {  	v8 =	vld [tilespmem:s6+$0x4E30]  }
0x14a: {  	v63 =	vld [tilespmem:s6+$0x4E40];
	v6 =	vsub.f32 v10, v6;
	v3 =	vadd.f32 v4, v3;
	v5 =	vmul.f32 v5, v5  }
0x14b: {  	v9 =	vld [tilespmem:s6+$0xDE40]  }
0x14c: {  	v4 =	vld [tilespmem:s6+$0xDE50];
	v6 =	vmul.f32 v6, v6;
	v7 =	vsub.f32 v11, v7;
	v10 =	vadd.f32 v5, v3  }
0x14d: {  	v5 =	vld [tilespmem:s6+$0x4E50]  }
0x14e: {  	v3 =	vld [tilespmem:s6+$0xDE60];
	v11 =	vmul.f32 v7, v7;
	v8 =	vsub.f32 v62, v8;
	v10 =	vadd.f32 v6, v10  }
0x14f: {  	s26 =	simm.s32 $0x100;
	s5 =	simm.s32 $0x80;
	v6 =	vld [tilespmem:s6+$0x4E60]  }
0x150: {  	s24 =	sand.u32 $0x7800, s26;
	s25 =	sand.u32 $0x380, s5;
	v7 =	vld [tilespmem:s6+$0xDE70];
	v9 =	vsub.f32 v9, v63;
	v10 =	vadd.f32 v11, v10;
	v11 =	vmul.f32 v8, v8  }
0x151: {  	s24 =	sor.u32 s25, s24;
	s25 =	simm.s32 $0x200;
	v8 =	vld [tilespmem:s6+$0x4E70]  }
.LBB2_4:
0x152: {  	p0 =	sne.s32 s25, $0x4700;
	v12 =	vld [tilespmem:s24+$0xDA00];
	v10 =	vadd.f32 v11, v10;
	v9 =	vmul.f32 v9, v9;
	v4 =	vsub.f32 v4, v5  }
0x153: {  	v5 =	vld [tilespmem:s24+$0x4A00]  }
0x154: {  	v11 =	vld [tilespmem:s24+$0xDA10];
	v9 =	vadd.f32 v9, v10;
	v4 =	vmul.f32 v4, v4;
	v3 =	vsub.f32 v3, v6  }
0x155: {  	v6 =	vld [tilespmem:s24+$0x4A10]  }
0x156: {  	v10 =	vld [tilespmem:s24+$0xDA20];
	v4 =	vadd.f32 v4, v9;
	v3 =	vmul.f32 v3, v3;
	v7 =	vsub.f32 v7, v8  }
0x157: {  	v8 =	vld [tilespmem:s24+$0x4A20]  }
0x158: {  	v5 =	vsub.f32 v12, v5;
	v9 =	vld [tilespmem:s24+$0xDA30];
	v3 =	vadd.f32 v3, v4;
	v4 =	vmul.f32 v7, v7  }
0x159: {  	v7 =	vld [tilespmem:s24+$0x4A30]  }
0x15a: {  	v5 =	vmul.f32 v5, v5;
	v6 =	vsub.f32 v11, v6;
	v11 =	vld [tilespmem:s24+$0xDA40];
	v3 =	vadd.f32 v4, v3  }
0x15b: {  	v4 =	vld [tilespmem:s24+$0x4A40]  }
0x15c: {  	v3 =	vadd.f32 v5, v3;
	v5 =	vmul.f32 v6, v6;
	v6 =	vsub.f32 v10, v8;
	v8 =	vld [tilespmem:s24+$0xDA50]  }
0x15d: {  	v10 =	vld [tilespmem:s24+$0x4A50]  }
0x15e: {  	v3 =	vadd.f32 v5, v3;
	v5 =	vmul.f32 v6, v6;
	v6 =	vsub.f32 v9, v7;
	v7 =	vld [tilespmem:s24+$0xDA60]  }
0x15f: {  	v9 =	vld [tilespmem:s24+$0x4A60]  }
0x160: {  	v3 =	vadd.f32 v5, v3;
	v5 =	vmul.f32 v6, v6;
	v4 =	vsub.f32 v11, v4;
	v6 =	vld [tilespmem:s24+$0xDA70]  }
0x161: {  	v11 =	vld [tilespmem:s24+$0x4A70]  }
0x162: {  	v3 =	vadd.f32 v5, v3;
	v4 =	vmul.f32 v4, v4;
	v5 =	vsub.f32 v8, v10;
	v8 =	vld [tilespmem:s24+$0xDE00]  }
0x163: {  	v10 =	vld [tilespmem:s24+$0x4E00]  }
0x164: {  	v3 =	vadd.f32 v4, v3;
	v4 =	vmul.f32 v5, v5;
	v5 =	vsub.f32 v7, v9;
	v7 =	vld [tilespmem:s24+$0xDE10]  }
0x165: {  	v9 =	vld [tilespmem:s24+$0x4E10]  }
0x166: {  	v3 =	vadd.f32 v4, v3;
	v4 =	vmul.f32 v5, v5;
	v5 =	vsub.f32 v6, v11;
	v6 =	vld [tilespmem:s24+$0xDE20]  }
0x167: {  	v11 =	vld [tilespmem:s24+$0x4E20]  }
0x168: {  	v3 =	vadd.f32 v4, v3;
	v4 =	vmul.f32 v5, v5;
	v5 =	vsub.f32 v8, v10;
	v8 =	vld [tilespmem:s24+$0xDE30]  }
0x169: {  	v10 =	vld [tilespmem:s24+$0x4E30]  }
0x16a: {  	v3 =	vadd.f32 v4, v3;
	v4 =	vmul.f32 v5, v5;
	v5 =	vsub.f32 v7, v9;
	v7 =	vld [tilespmem:s24+$0xDE40]  }
0x16b: {  	v9 =	vld [tilespmem:s24+$0x4E40]  }
0x16c: {  	v3 =	vadd.f32 v4, v3;
	v12 =	vmul.f32 v5, v5;
	v6 =	vsub.f32 v6, v11;
	v4 =	vld [tilespmem:s24+$0xDE50]  }
.Ltmp1:
0x16d: {  	v5 =	vld [tilespmem:s24+$0x4E50];
	(pc) =	sbr.rel @p0 .LBB2_4-.Ltmp1, $4  }
0x16e: {  	v11 =	vadd.f32 v12, v3;
	v12 =	vmul.f32 v6, v6;
	v8 =	vsub.f32 v8, v10;
	v3 =	vld [tilespmem:s24+$0xDE60]  }
0x16f: {  	s5 =	sadd.s32 $0x80, s5;
	v6 =	vld [tilespmem:s24+$0x4E60]  }
0x170: {  	s6 =	sand.u32 $0x7800, s25;
	s26 =	sand.u32 $0x380, s5;
	v10 =	vadd.f32 v12, v11;
	v11 =	vmul.f32 v8, v8;
	v9 =	vsub.f32 v7, v9;
	v7 =	vld [tilespmem:s24+$0xDE70]  }
0x171: {  	s25 =	sadd.s32 $0x100, s25;
	v8 =	vld [tilespmem:s24+$0x4E70];
	s24 =	sor.u32 s26, s6  }
0x172: {  	v12 =	vld [tilespmem:s24+$0xDA00]  }
0x173: {  	v13 =	vld [tilespmem:s24+$0x4A00]  }
0x174: {  	v14 =	vld [tilespmem:s24+$0xDA10]  }
0x175: {  	v15 =	vld [tilespmem:s24+$0x4A10]  }
0x176: {  	v16 =	vld [tilespmem:s24+$0xDA20]  }
0x177: {  	v17 =	vld [tilespmem:s24+$0x4A20]  }
0x178: {  	v18 =	vld [tilespmem:s24+$0xDA30]  }
0x179: {  	v19 =	vld [tilespmem:s24+$0x4A30]  }
0x17a: {  	v20 =	vld [tilespmem:s24+$0xDA40]  }
0x17b: {  	v21 =	vld [tilespmem:s24+$0x4A40]  }
0x17c: {  	v22 =	vld [tilespmem:s24+$0xDA50]  }
0x17d: {  	v23 =	vld [tilespmem:s24+$0x4A50]  }
0x17e: {  	v24 =	vld [tilespmem:s24+$0xDA60]  }
0x17f: {  	v25 =	vld [tilespmem:s24+$0x4A60]  }
0x180: {  	v26 =	vld [tilespmem:s24+$0xDA70]  }
0x181: {  	v27 =	vld [tilespmem:s24+$0x4A70]  }
0x182: {  	v28 =	vld [tilespmem:s24+$0xDE00]  }
0x183: {  	v30 =	vld [tilespmem:$0x180]  }
0x184: {  	v29 =	vld [tilespmem:s24+$0x4E00]  }
0x185: {  	v31 =	vld [tilespmem:s24+$0xDE10]  }
0x186: {  	v32 =	vld [tilespmem:s24+$0x4E10]  }
0x187: {  	v33 =	vld [tilespmem:s24+$0xDE20]  }
0x188: {  	v34 =	vld [tilespmem:s24+$0x4E20];
	v36 =	vshll.u32 v30, $0x1  }
0x189: {  	v35 =	vld [tilespmem:s24+$0xDE30];
	v30 =	vand.u32 $0x7, v30;
	v36 =	vand.u32 $0xFFFFFFF0, v36  }
0x18a: {  	v37 =	vld [tilespmem:s24+$0x4E30];
	v30 =	vor.u32 v30, v36  }
0x18b: {  	v38 =	vld [tilespmem:s24+$0xDE40];
	v39 =	vperm.xlane v30, v0  }
0x18c: {  	v54 =	vld [tilespmem:s24+$0x4E40]  }
0x18d: {  	v40 =	vld [tilespmem:s24+$0xDE50];
	v30 =	vperm.xlane v30, v2;
	v39 =	vadd.s32 v1, v39  }
0x18e: {  	v41 =	vld [tilespmem:s24+$0x4E50]  }
0x18f: {  	v42 =	vld [tilespmem:s24+$0xDE60];
	v30 =	vadd.s32 v1, v30  }
0x190: {  	v43 =	vld [tilespmem:s24+$0x4E60]  }
0x191: {  	v44 =	vld [tilespmem:s24+$0xDE70];
	s5 =	simm.s32 $0x0  }
0x192: {  	v45 =	vld [tilespmem:s24+$0x4E70];
	[tilespmem:s29], [sflag:$0x2] =	stream.indirect_vreg.gather [hbm4b:s1+s5], $0x80, v39, vm0, $0xb8  }
0x193: {  	_ = 	snop  }
0x194: {  	[tilespmem:s30], [sflag:$0x2] =	stream.indirect_vreg.gather [hbm4b:s1+s5], $0x80, v30, vm0, $0xb8;
	[tilespmem:$0x12280] =	vst v63  }
0x195: {  	v30 =	vld [tilespmem:$0x190];
	_ =	sdelay $0x4  }
0x196: {  	v55 =	vshll.u32 v30, $0x1  }
0x197: {  	v30 =	vand.u32 $0x7, v30;
	v39 =	vand.u32 $0xFFFFFFF0, v55  }
0x198: {  	v30 =	vor.u32 v30, v39  }
0x199: {  	v39 =	vperm.xlane v30, v0;
	_ =	sdelay $0x1  }
0x19a: {  	v30 =	vperm.xlane v30, v2;
	v39 =	vadd.s32 v1, v39;
	_ =	sdelay $0x1  }
0x19b: {  	v30 =	vadd.s32 v1, v30;
	_ =	sdelay $0x2  }
0x19c: {  	[tilespmem:s31], [sflag:$0x2] =	stream.indirect_vreg.gather [hbm4b:s1+s5], $0x80, v39, vm0, $0xb8;
	[tilespmem:$0x12280] =	vst v63  }
0x19d: {  	_ = 	snop  }
0x19e: {  	[tilespmem:s0], [sflag:$0x2] =	stream.indirect_vreg.gather [hbm4b:s1+s5], $0x80, v30, vm0, $0xb8;
	[tilespmem:$0x12280] =	vst v63  }
0x19f: {  	v30 =	vld [tilespmem:$0x1A0];
	_ =	sdelay $0x4  }
0x1a0: {  	v56 =	vshll.u32 v30, $0x1  }
0x1a1: {  	v30 =	vand.u32 $0x7, v30;
	v39 =	vand.u32 $0xFFFFFFF0, v56  }
0x1a2: {  	v30 =	vor.u32 v30, v39  }
0x1a3: {  	v39 =	vperm.xlane v30, v0;
	_ =	sdelay $0x1  }
0x1a4: {  	v30 =	vperm.xlane v30, v2;
	v39 =	vadd.s32 v1, v39;
	_ =	sdelay $0x1  }
0x1a5: {  	v30 =	vadd.s32 v1, v30;
	_ =	sdelay $0x2  }
0x1a6: {  	[tilespmem:s2], [sflag:$0x2] =	stream.indirect_vreg.gather [hbm4b:s1+s5], $0x80, v39, vm0, $0xb8;
	[tilespmem:$0x12280] =	vst v63  }
0x1a7: {  	_ = 	snop  }
0x1a8: {  	[tilespmem:s15], [sflag:$0x2] =	stream.indirect_vreg.gather [hbm4b:s1+s5], $0x80, v30, vm0, $0xb8;
	[tilespmem:$0x12280] =	vst v63  }
0x1a9: {  	v30 =	vld [tilespmem:$0x1B0];
	_ =	sdelay $0x4  }
0x1aa: {  	v57 =	vshll.u32 v30, $0x1  }
0x1ab: {  	v10 =	vadd.f32 v11, v10;
	v11 =	vand.u32 $0x7, v30;
	v58 =	vand.u32 $0xFFFFFFF0, v57  }
0x1ac: {  	v4 =	vsub.f32 v4, v5;
	v5 =	vmul.f32 v9, v9;
	v9 =	vor.u32 v11, v58  }
0x1ad: {  	v11 =	vperm.xlane v9, v0  }
0x1ae: {  	v5 =	vadd.f32 v5, v10;
	v4 =	vmul.f32 v4, v4  }
0x1af: {  	v3 =	vsub.f32 v3, v6;
	v9 =	vperm.xlane v9, v2;
	v6 =	vadd.s32 v1, v11  }
0x1b0: {  	v4 =	vadd.f32 v4, v5  }
0x1b1: {  	v5 =	vsub.f32 v7, v8;
	v3 =	vmul.f32 v3, v3;
	v7 =	vadd.s32 v1, v9;
	_ =	sdelay $0x1  }
0x1b2: {  	v8 =	vsub.f32 v12, v13;
	v3 =	vadd.f32 v3, v4;
	v4 =	vmul.f32 v5, v5  }
0x1b3: {  	[tilespmem:s16], [sflag:$0x2] =	stream.indirect_vreg.gather [hbm4b:s1+s5], $0x80, v6, vm0, $0xb8;
	[tilespmem:$0x12280] =	vst v63  }
0x1b4: {  	v5 =	vsub.f32 v14, v15;
	v3 =	vadd.f32 v4, v3;
	v4 =	vmul.f32 v8, v8  }
0x1b5: {  	[tilespmem:s17], [sflag:$0x2] =	stream.indirect_vreg.gather [hbm4b:s1+s5], $0x80, v7, vm0, $0xb8;
	[tilespmem:$0x12280] =	vst v63  }
0x1b6: {  	v3 =	vadd.f32 v4, v3;
	v4 =	vmul.f32 v5, v5;
	v5 =	vsub.f32 v16, v17;
	v6 =	vld.msk [tilespmem:$0x1C0], $0xff;
	_ =	sdelay $0x1  }
0x1b7: {  	v3 =	vadd.f32 v4, v3;
	v4 =	vmul.f32 v5, v5  }
0x1b8: {  	v5 =	vsub.f32 v18, v19  }
0x1b9: {  	v3 =	vadd.f32 v4, v3  }
0x1ba: {  	v4 =	vmul.f32 v5, v5;
	v5 =	vsub.f32 v20, v21;
	v7 =	vshll.u32 v6, $0x1  }
0x1bb: {  	v6 =	vand.u32 $0x7, v6;
	v7 =	vand.u32 $0xFFFFFFF0, v7  }
0x1bc: {  	v3 =	vadd.f32 v4, v3;
	v5 =	vmul.f32 v5, v5;
	v4 =	vor.u32 v6, v7  }
0x1bd: {  	v6 =	vsub.f32 v22, v23;
	v4 =	vperm.xlane v4, v0  }
0x1be: {  	v3 =	vadd.f32 v5, v3  }
0x1bf: {  	v5 =	vsub.f32 v24, v25;
	v6 =	vmul.f32 v6, v6;
	v4 =	vadd.s32 v1, v4;
	_ =	sdelay $0x1  }
0x1c0: {  	v5 =	vmul.f32 v5, v5;
	v3 =	vadd.f32 v6, v3  }
0x1c1: {  	v6 =	vsub.f32 v26, v27  }
0x1c2: {  	v3 =	vadd.f32 v5, v3  }
0x1c3: {  	v5 =	vsub.f32 v28, v29;
	[tilespmem:s4], [sflag:$0x2] =	stream.indirect_vreg.gather [hbm4b:s1+s5], $0x80, v4, vm0, $0xb8;
	v4 =	vmul.f32 v6, v6;
	[tilespmem:$0x12280] =	vst v63  }
0x1c4: {  	_ = 	snop  }
0x1c5: {  	v5 =	vmul.f32 v5, v5;
	v3 =	vadd.f32 v4, v3;
	v4 =	vsub.f32 v31, v32  }
0x1c6: {  	[tilespmem:s18], [sflag:$0x4] =	stream.linear.gather [hbm4b:s11+s5], $0x4800, $0x38;
	[tilespmem:$0x12280] =	vst v63  }
0x1c7: {  	_ =	swait.ge [sflag:s19], $0x4800;
	v3 =	vadd.f32 v5, v3;
	v5 =	vsub.f32 v33, v34;
	v4 =	vmul.f32 v4, v4  }
0x1c8: {  	[sflag:s19] =	ssyncset.done $0x0  }
0x1c9: {  	[sflag:s19] =	ssyncadd.s32 $0xFFFFB800;
	v3 =	vadd.f32 v4, v3;
	v4 =	vsub.f32 v35, v37;
	v5 =	vmul.f32 v5, v5  }
0x1ca: {  	_ =	swait.ge [sflag:s20], $0x4800  }
0x1cb: {  	s6 =	sand.u32 $0x7800, s5;
	s5 =	sand.u32 $0x380, s5;
	[sflag:s20] =	ssyncset.done $0x0;
	v3 =	vadd.f32 v5, v3;
	v4 =	vmul.f32 v4, v4;
	v5 =	vsub.f32 v38, v54  }
0x1cc: {  	s6 =	sor.u32 s5, s6;
	[sflag:s20] =	ssyncadd.s32 $0xFFFFB800  }
0x1cd: {  	v6 =	vld [tilespmem:s6+$0x9200];
	v3 =	vadd.f32 v4, v3;
	v4 =	vmul.f32 v5, v5;
	v5 =	vsub.f32 v40, v41  }
0x1ce: {  	v7 =	vld [tilespmem:s6+$0x200]  }
0x1cf: {  	v8 =	vld [tilespmem:s6+$0x9210];
	v3 =	vadd.f32 v4, v3;
	v4 =	vmul.f32 v5, v5;
	v5 =	vsub.f32 v42, v43  }
0x1d0: {  	v9 =	vld [tilespmem:s6+$0x210]  }
0x1d1: {  	v10 =	vld [tilespmem:s6+$0x9220];
	v3 =	vadd.f32 v4, v3;
	v4 =	vmul.f32 v5, v5;
	v5 =	vsub.f32 v44, v45  }
0x1d2: {  	v11 =	vld [tilespmem:s6+$0x220]  }
0x1d3: {  	v59 =	vld [tilespmem:s6+$0x9230];
	v3 =	vadd.f32 v4, v3;
	v4 =	vmul.f32 v5, v5;
	v5 =	vsub.f32 v6, v7  }
0x1d4: {  	v6 =	vld [tilespmem:s6+$0x230]  }
0x1d5: {  	v7 =	vld [tilespmem:s6+$0x9240];
	v3 =	vadd.f32 v4, v3;
	v4 =	vmul.f32 v5, v5;
	v5 =	vsub.f32 v8, v9  }
0x1d6: {  	v8 =	vld [tilespmem:s6+$0x240]  }
0x1d7: {  	v9 =	vld [tilespmem:s6+$0x9250];
	v3 =	vadd.f32 v4, v3;
	v4 =	vmul.f32 v5, v5;
	v5 =	vsub.f32 v10, v11  }
0x1d8: {  	v10 =	vld [tilespmem:s6+$0x250]  }
0x1d9: {  	v11 =	vld [tilespmem:s6+$0x9260];
	v3 =	vadd.f32 v4, v3;
	v4 =	vmul.f32 v5, v5;
	v5 =	vsub.f32 v59, v6  }
0x1da: {  	v6 =	vld [tilespmem:s6+$0x260]  }
0x1db: {  	v60 =	vld [tilespmem:s6+$0x9270];
	v3 =	vadd.f32 v4, v3;
	v4 =	vmul.f32 v5, v5;
	v5 =	vsub.f32 v7, v8  }
0x1dc: {  	v7 =	vld [tilespmem:s6+$0x270]  }
0x1dd: {  	v8 =	vld [tilespmem:s6+$0x9600];
	v3 =	vadd.f32 v4, v3;
	v4 =	vmul.f32 v5, v5;
	v5 =	vsub.f32 v9, v10  }
0x1de: {  	v9 =	vld [tilespmem:s6+$0x600]  }
0x1df: {  	v10 =	vld [tilespmem:s6+$0x9610];
	v3 =	vadd.f32 v4, v3;
	v4 =	vmul.f32 v5, v5;
	v5 =	vsub.f32 v11, v6  }
0x1e0: {  	v6 =	vld [tilespmem:s6+$0x610]  }
0x1e1: {  	v11 =	vld [tilespmem:s6+$0x9620];
	v3 =	vadd.f32 v4, v3;
	v4 =	vmul.f32 v5, v5;
	v5 =	vsub.f32 v60, v7  }
0x1e2: {  	v7 =	vld [tilespmem:s6+$0x620]  }
0x1e3: {  	v61 =	vld [tilespmem:s6+$0x9630];
	v3 =	vadd.f32 v4, v3;
	v4 =	vmul.f32 v5, v5;
	v5 =	vsub.f32 v8, v9  }
0x1e4: {  	v8 =	vld [tilespmem:s6+$0x630]  }
0x1e5: {  	v62 =	vld [tilespmem:s6+$0x9640];
	v6 =	vsub.f32 v10, v6;
	v4 =	vadd.f32 v4, v3;
	v5 =	vmul.f32 v5, v5  }
0x1e6: {  	v63 =	vld [tilespmem:s6+$0x640]  }
0x1e7: {  	v3 =	vld [tilespmem:s6+$0x9650];
	v6 =	vmul.f32 v6, v6;
	v7 =	vsub.f32 v11, v7;
	v9 =	vadd.f32 v5, v4  }
0x1e8: {  	v5 =	vld [tilespmem:s6+$0x650]  }
0x1e9: {  	v4 =	vld [tilespmem:s6+$0x9660];
	v10 =	vmul.f32 v7, v7;
	v8 =	vsub.f32 v61, v8;
	v9 =	vadd.f32 v6, v9  }
0x1ea: {  	s26 =	simm.s32 $0x100;
	s5 =	simm.s32 $0x80;
	v6 =	vld [tilespmem:s6+$0x660]  }
0x1eb: {  	s24 =	sand.u32 $0x7800, s26;
	s25 =	sand.u32 $0x380, s5;
	v11 =	vsub.f32 v62, v63;
	v7 =	vld [tilespmem:s6+$0x9670];
	v9 =	vadd.f32 v10, v9;
	v10 =	vmul.f32 v8, v8  }
0x1ec: {  	s24 =	sor.u32 s25, s24;
	s25 =	simm.s32 $0x200;
	v8 =	vld [tilespmem:s6+$0x670]  }
.LBB2_6:
0x1ed: {  	p0 =	sne.s32 s25, $0x4700;
	v12 =	vld [tilespmem:s24+$0x9200];
	v9 =	vadd.f32 v10, v9;
	v10 =	vmul.f32 v11, v11;
	v3 =	vsub.f32 v3, v5  }
0x1ee: {  	v5 =	vld [tilespmem:s24+$0x200]  }
0x1ef: {  	v11 =	vld [tilespmem:s24+$0x9210];
	v9 =	vadd.f32 v10, v9;
	v3 =	vmul.f32 v3, v3;
	v4 =	vsub.f32 v4, v6  }
0x1f0: {  	v6 =	vld [tilespmem:s24+$0x210]  }
0x1f1: {  	v10 =	vld [tilespmem:s24+$0x9220];
	v3 =	vadd.f32 v3, v9;
	v4 =	vmul.f32 v4, v4;
	v7 =	vsub.f32 v7, v8  }
0x1f2: {  	v8 =	vld [tilespmem:s24+$0x220]  }
0x1f3: {  	v5 =	vsub.f32 v12, v5;
	v9 =	vld [tilespmem:s24+$0x9230];
	v3 =	vadd.f32 v4, v3;
	v4 =	vmul.f32 v7, v7  }
0x1f4: {  	v7 =	vld [tilespmem:s24+$0x230]  }
0x1f5: {  	v5 =	vmul.f32 v5, v5;
	v6 =	vsub.f32 v11, v6;
	v11 =	vld [tilespmem:s24+$0x9240];
	v3 =	vadd.f32 v4, v3  }
0x1f6: {  	v4 =	vld [tilespmem:s24+$0x240]  }
0x1f7: {  	v3 =	vadd.f32 v5, v3;
	v5 =	vmul.f32 v6, v6;
	v6 =	vsub.f32 v10, v8;
	v8 =	vld [tilespmem:s24+$0x9250]  }
0x1f8: {  	v10 =	vld [tilespmem:s24+$0x250]  }
0x1f9: {  	v3 =	vadd.f32 v5, v3;
	v5 =	vmul.f32 v6, v6;
	v6 =	vsub.f32 v9, v7;
	v7 =	vld [tilespmem:s24+$0x9260]  }
0x1fa: {  	v9 =	vld [tilespmem:s24+$0x260]  }
0x1fb: {  	v3 =	vadd.f32 v5, v3;
	v5 =	vmul.f32 v6, v6;
	v4 =	vsub.f32 v11, v4;
	v6 =	vld [tilespmem:s24+$0x9270]  }
0x1fc: {  	v11 =	vld [tilespmem:s24+$0x270]  }
0x1fd: {  	v3 =	vadd.f32 v5, v3;
	v4 =	vmul.f32 v4, v4;
	v5 =	vsub.f32 v8, v10;
	v8 =	vld [tilespmem:s24+$0x9600]  }
0x1fe: {  	v10 =	vld [tilespmem:s24+$0x600]  }
0x1ff: {  	v3 =	vadd.f32 v4, v3;
	v4 =	vmul.f32 v5, v5;
	v5 =	vsub.f32 v7, v9;
	v7 =	vld [tilespmem:s24+$0x9610]  }
0x200: {  	v9 =	vld [tilespmem:s24+$0x610]  }
0x201: {  	v3 =	vadd.f32 v4, v3;
	v4 =	vmul.f32 v5, v5;
	v5 =	vsub.f32 v6, v11;
	v6 =	vld [tilespmem:s24+$0x9620]  }
0x202: {  	v11 =	vld [tilespmem:s24+$0x620]  }
0x203: {  	v3 =	vadd.f32 v4, v3;
	v4 =	vmul.f32 v5, v5;
	v5 =	vsub.f32 v8, v10;
	v8 =	vld [tilespmem:s24+$0x9630]  }
0x204: {  	v10 =	vld [tilespmem:s24+$0x630]  }
0x205: {  	v3 =	vadd.f32 v4, v3;
	v4 =	vmul.f32 v5, v5;
	v5 =	vsub.f32 v7, v9;
	v7 =	vld [tilespmem:s24+$0x9640]  }
0x206: {  	v12 =	vld [tilespmem:s24+$0x640]  }
0x207: {  	v4 =	vadd.f32 v4, v3;
	v9 =	vmul.f32 v5, v5;
	v6 =	vsub.f32 v6, v11;
	v3 =	vld [tilespmem:s24+$0x9650]  }
.Ltmp2:
0x208: {  	v5 =	vld [tilespmem:s24+$0x650];
	(pc) =	sbr.rel @p0 .LBB2_6-.Ltmp2, $4  }
0x209: {  	v9 =	vadd.f32 v9, v4;
	v11 =	vmul.f32 v6, v6;
	v8 =	vsub.f32 v8, v10;
	v4 =	vld [tilespmem:s24+$0x9660]  }
0x20a: {  	s5 =	sadd.s32 $0x80, s5;
	v6 =	vld [tilespmem:s24+$0x660]  }
0x20b: {  	s6 =	sand.u32 $0x7800, s25;
	s26 =	sand.u32 $0x380, s5;
	v9 =	vadd.f32 v11, v9;
	v10 =	vmul.f32 v8, v8;
	v11 =	vsub.f32 v7, v12;
	v7 =	vld [tilespmem:s24+$0x9670]  }
0x20c: {  	s25 =	sadd.s32 $0x100, s25;
	v8 =	vld [tilespmem:s24+$0x670];
	s24 =	sor.u32 s26, s6  }
0x20d: {  	v12 =	vld [tilespmem:s24+$0x9200]  }
0x20e: {  	v13 =	vld [tilespmem:s24+$0x200]  }
0x20f: {  	v14 =	vld [tilespmem:s24+$0x9210]  }
0x210: {  	v15 =	vld [tilespmem:s24+$0x210]  }
0x211: {  	v16 =	vld [tilespmem:s24+$0x9220]  }
0x212: {  	v17 =	vld [tilespmem:s24+$0x220];
	v9 =	vadd.f32 v10, v9;
	v10 =	vmul.f32 v11, v11;
	v3 =	vsub.f32 v3, v5  }
0x213: {  	v18 =	vld [tilespmem:s24+$0x9230]  }
0x214: {  	v5 =	vld [tilespmem:s24+$0x230];
	v9 =	vadd.f32 v10, v9;
	v3 =	vmul.f32 v3, v3;
	v4 =	vsub.f32 v4, v6  }
0x215: {  	v11 =	vld [tilespmem:s24+$0x9240]  }
0x216: {  	v45 =	vld [tilespmem:s24+$0x9270];
	v3 =	vadd.f32 v3, v9;
	v4 =	vmul.f32 v4, v4;
	v7 =	vsub.f32 v7, v8  }
0x217: {  	v46 =	vld [tilespmem:s24+$0x9600]  }
0x218: {  	v49 =	vld [tilespmem:s24+$0x600];
	v12 =	vsub.f32 v12, v13;
	v3 =	vadd.f32 v4, v3;
	v4 =	vmul.f32 v7, v7  }
0x219: {  	v50 =	vld [tilespmem:s24+$0x9610]  }
0x21a: {  	v52 =	vld [tilespmem:s24+$0x610];
	v14 =	vsub.f32 v14, v15;
	v12 =	vmul.f32 v12, v12;
	v3 =	vadd.f32 v4, v3  }
0x21b: {  	v6 =	vld [tilespmem:s24+$0x240]  }
0x21c: {  	v10 =	vld [tilespmem:s24+$0x9250];
	v48 =	vsub.f32 v16, v17;
	v47 =	vmul.f32 v14, v14;
	v3 =	vadd.f32 v12, v3  }
0x21d: {  	v8 =	vld [tilespmem:s24+$0x250]  }
0x21e: {  	v9 =	vld [tilespmem:s24+$0x9260];
	v5 =	vsub.f32 v18, v5;
	v51 =	vmul.f32 v48, v48;
	v3 =	vadd.f32 v47, v3  }
0x21f: {  	v7 =	vld [tilespmem:s24+$0x260]  }
0x220: {  	v53 =	vld [tilespmem:s24+$0x9620];
	v5 =	vmul.f32 v5, v5;
	v6 =	vsub.f32 v11, v6;
	v3 =	vadd.f32 v51, v3  }
0x221: {  	v4 =	vld [tilespmem:s24+$0x270]  }
0x222: {  	v54 =	vld [tilespmem:s24+$0x9630];
	v3 =	vadd.f32 v5, v3;
	v5 =	vmul.f32 v6, v6;
	v6 =	vsub.f32 v10, v8  }
0x223: {  	v55 =	vld [tilespmem:s24+$0x9660]  }
0x224: {  	v56 =	vld [tilespmem:s24+$0x660];
	v3 =	vadd.f32 v5, v3;
	v5 =	vmul.f32 v6, v6;
	v6 =	vsub.f32 v9, v7  }
0x225: {  	v57 =	vld [tilespmem:s24+$0x9670]  }
0x226: {  	v58 =	vld [tilespmem:s24+$0x670];
	v4 =	vsub.f32 v45, v4;
	v3 =	vadd.f32 v5, v3;
	v5 =	vmul.f32 v6, v6  }
0x227: {  	v11 =	vld [tilespmem:s24+$0x620]  }
0x228: {  	v4 =	vmul.f32 v4, v4;
	v8 =	vld [tilespmem:s24+$0x630];
	v3 =	vadd.f32 v5, v3;
	v5 =	vsub.f32 v46, v49  }
0x229: {  	v10 =	vld [tilespmem:s24+$0x9640]  }
0x22a: {  	v7 =	vld [tilespmem:s24+$0x640];
	v3 =	vadd.f32 v4, v3;
	v4 =	vmul.f32 v5, v5;
	v5 =	vsub.f32 v50, v52  }
0x22b: {  	v9 =	vld [tilespmem:s24+$0x9650]  }
0x22c: {  	v6 =	vld [tilespmem:s24+$0x650];
	_ =	swait.ge [sflag:s21], $0x4800;
	v3 =	vadd.f32 v4, v3;
	v4 =	vsub.f32 v53, v11;
	v5 =	vmul.f32 v5, v5  }
0x22d: {  	[sflag:s21] =	ssyncset.done $0x0  }
0x22e: {  	[sflag:s21] =	ssyncadd.s32 $0xFFFFB800;
	v3 =	vadd.f32 v5, v3;
	v5 =	vsub.f32 v54, v8;
	v4 =	vmul.f32 v4, v4  }
0x22f: {  	s5 =	simm.s32 $0x0;
	_ =	swait.ge [sflag:s22], $0x4800  }
0x230: {  	s6 =	sand.u32 $0x7800, s5;
	s5 =	sand.u32 $0x380, s5;
	[sflag:s22] =	ssyncset.done $0x0;
	v3 =	vadd.f32 v4, v3;
	v4 =	vmul.f32 v5, v5;
	v5 =	vsub.f32 v10, v7  }
0x231: {  	s6 =	sor.u32 s5, s6;
	[sflag:s22] =	ssyncadd.s32 $0xFFFFB800  }
0x232: {  	v7 =	vld [tilespmem:s6+$0xDA00];
	v3 =	vadd.f32 v4, v3;
	v4 =	vmul.f32 v5, v5;
	v5 =	vsub.f32 v9, v6  }
0x233: {  	v6 =	vld [tilespmem:s6+$0x4A00]  }
0x234: {  	v8 =	vld [tilespmem:s6+$0xDA10];
	v3 =	vadd.f32 v4, v3;
	v4 =	vmul.f32 v5, v5;
	v5 =	vsub.f32 v55, v56  }
0x235: {  	v9 =	vld [tilespmem:s6+$0x4A10]  }
0x236: {  	v11 =	vld [tilespmem:s6+$0x4A20];
	v3 =	vadd.f32 v4, v3;
	v4 =	vmul.f32 v5, v5;
	v5 =	vsub.f32 v57, v58  }
0x237: {  	v10 =	vld [tilespmem:s6+$0xDA20]  }
0x238: {  	v59 =	vld [tilespmem:s6+$0xDA30];
	v3 =	vadd.f32 v4, v3;
	v4 =	vmul.f32 v5, v5;
	v5 =	vsub.f32 v7, v6  }
0x239: {  	v6 =	vld [tilespmem:s6+$0x4A30]  }
0x23a: {  	v7 =	vld [tilespmem:s6+$0xDA40];
	v3 =	vadd.f32 v4, v3;
	v4 =	vmul.f32 v5, v5;
	v5 =	vsub.f32 v8, v9  }
0x23b: {  	v8 =	vld [tilespmem:s6+$0x4A40]  }
0x23c: {  	v9 =	vld [tilespmem:s6+$0xDA50];
	v3 =	vadd.f32 v4, v3;
	v4 =	vmul.f32 v5, v5;
	v5 =	vsub.f32 v10, v11  }
0x23d: {  	v10 =	vld [tilespmem:s6+$0x4A50]  }
0x23e: {  	v11 =	vld [tilespmem:s6+$0xDA60];
	v3 =	vadd.f32 v4, v3;
	v4 =	vmul.f32 v5, v5;
	v5 =	vsub.f32 v59, v6  }
0x23f: {  	v6 =	vld [tilespmem:s6+$0x4A60]  }
0x240: {  	v60 =	vld [tilespmem:s6+$0xDA70];
	v3 =	vadd.f32 v4, v3;
	v4 =	vmul.f32 v5, v5;
	v5 =	vsub.f32 v7, v8  }
0x241: {  	v7 =	vld [tilespmem:s6+$0x4A70]  }
0x242: {  	v8 =	vld [tilespmem:s6+$0xDE00];
	v3 =	vadd.f32 v4, v3;
	v4 =	vmul.f32 v5, v5;
	v5 =	vsub.f32 v9, v10  }
0x243: {  	v9 =	vld [tilespmem:s6+$0x4E00]  }
0x244: {  	v10 =	vld [tilespmem:s6+$0xDE10];
	v3 =	vadd.f32 v4, v3;
	v4 =	vmul.f32 v5, v5;
	v5 =	vsub.f32 v11, v6  }
0x245: {  	v6 =	vld [tilespmem:s6+$0x4E10]  }
0x246: {  	v11 =	vld [tilespmem:s6+$0xDE20];
	v3 =	vadd.f32 v4, v3;
	v4 =	vmul.f32 v5, v5;
	v5 =	vsub.f32 v60, v7  }
0x247: {  	v7 =	vld [tilespmem:s6+$0x4E20]  }
0x248: {  	v61 =	vld [tilespmem:s6+$0xDE30];
	v3 =	vadd.f32 v4, v3;
	v4 =	vmul.f32 v5, v5;
	v5 =	vsub.f32 v8, v9  }
0x249: {  	v8 =	vld [tilespmem:s6+$0x4E30]  }
0x24a: {  	v62 =	vld [tilespmem:s6+$0xDE40];
	v6 =	vsub.f32 v10, v6;
	v4 =	vadd.f32 v4, v3;
	v5 =	vmul.f32 v5, v5  }
0x24b: {  	v63 =	vld [tilespmem:s6+$0x4E40]  }
0x24c: {  	v3 =	vld [tilespmem:s6+$0xDE50];
	v6 =	vmul.f32 v6, v6;
	v7 =	vsub.f32 v11, v7;
	v9 =	vadd.f32 v5, v4  }
0x24d: {  	v5 =	vld [tilespmem:s6+$0x4E50]  }
0x24e: {  	v4 =	vld [tilespmem:s6+$0xDE60];
	v10 =	vmul.f32 v7, v7;
	v8 =	vsub.f32 v61, v8;
	v9 =	vadd.f32 v6, v9  }
0x24f: {  	s26 =	simm.s32 $0x100;
	s5 =	simm.s32 $0x80;
	v6 =	vld [tilespmem:s6+$0x4E60]  }
0x250: {  	s25 =	sand.u32 $0x380, s5;
	s24 =	sand.u32 $0x7800, s26;
	v11 =	vsub.f32 v62, v63;
	v7 =	vld [tilespmem:s6+$0xDE70];
	v9 =	vadd.f32 v10, v9;
	v10 =	vmul.f32 v8, v8  }
0x251: {  	s24 =	sor.u32 s25, s24;
	s25 =	simm.s32 $0x200;
	v8 =	vld [tilespmem:s6+$0x4E70]  }
.LBB2_8:
0x252: {  	p0 =	sne.s32 s25, $0x4700;
	v12 =	vld [tilespmem:s24+$0xDA00];
	v9 =	vadd.f32 v10, v9;
	v10 =	vmul.f32 v11, v11;
	v3 =	vsub.f32 v3, v5  }
0x253: {  	v5 =	vld [tilespmem:s24+$0x4A00]  }
0x254: {  	v11 =	vld [tilespmem:s24+$0xDA10];
	v9 =	vadd.f32 v10, v9;
	v3 =	vmul.f32 v3, v3;
	v4 =	vsub.f32 v4, v6  }
0x255: {  	v6 =	vld [tilespmem:s24+$0x4A10]  }
0x256: {  	v10 =	vld [tilespmem:s24+$0xDA20];
	v3 =	vadd.f32 v3, v9;
	v4 =	vmul.f32 v4, v4;
	v7 =	vsub.f32 v7, v8  }
0x257: {  	v8 =	vld [tilespmem:s24+$0x4A20]  }
0x258: {  	v5 =	vsub.f32 v12, v5;
	v9 =	vld [tilespmem:s24+$0xDA30];
	v3 =	vadd.f32 v4, v3;
	v4 =	vmul.f32 v7, v7  }
0x259: {  	v7 =	vld [tilespmem:s24+$0x4A30]  }
0x25a: {  	v5 =	vmul.f32 v5, v5;
	v6 =	vsub.f32 v11, v6;
	v11 =	vld [tilespmem:s24+$0xDA40];
	v3 =	vadd.f32 v4, v3  }
0x25b: {  	v4 =	vld [tilespmem:s24+$0x4A40]  }
0x25c: {  	v3 =	vadd.f32 v5, v3;
	v5 =	vmul.f32 v6, v6;
	v6 =	vsub.f32 v10, v8;
	v8 =	vld [tilespmem:s24+$0xDA50]  }
0x25d: {  	v10 =	vld [tilespmem:s24+$0x4A50]  }
0x25e: {  	v3 =	vadd.f32 v5, v3;
	v5 =	vmul.f32 v6, v6;
	v6 =	vsub.f32 v9, v7;
	v7 =	vld [tilespmem:s24+$0xDA60]  }
0x25f: {  	v9 =	vld [tilespmem:s24+$0x4A60]  }
0x260: {  	v3 =	vadd.f32 v5, v3;
	v5 =	vmul.f32 v6, v6;
	v4 =	vsub.f32 v11, v4;
	v6 =	vld [tilespmem:s24+$0xDA70]  }
0x261: {  	v11 =	vld [tilespmem:s24+$0x4A70]  }
0x262: {  	v3 =	vadd.f32 v5, v3;
	v4 =	vmul.f32 v4, v4;
	v5 =	vsub.f32 v8, v10;
	v8 =	vld [tilespmem:s24+$0xDE00]  }
0x263: {  	v10 =	vld [tilespmem:s24+$0x4E00]  }
0x264: {  	v3 =	vadd.f32 v4, v3;
	v4 =	vmul.f32 v5, v5;
	v5 =	vsub.f32 v7, v9;
	v7 =	vld [tilespmem:s24+$0xDE10]  }
0x265: {  	v9 =	vld [tilespmem:s24+$0x4E10]  }
0x266: {  	v3 =	vadd.f32 v4, v3;
	v4 =	vmul.f32 v5, v5;
	v5 =	vsub.f32 v6, v11;
	v6 =	vld [tilespmem:s24+$0xDE20]  }
0x267: {  	v11 =	vld [tilespmem:s24+$0x4E20]  }
0x268: {  	v3 =	vadd.f32 v4, v3;
	v4 =	vmul.f32 v5, v5;
	v5 =	vsub.f32 v8, v10;
	v8 =	vld [tilespmem:s24+$0xDE30]  }
0x269: {  	v10 =	vld [tilespmem:s24+$0x4E30]  }
0x26a: {  	v3 =	vadd.f32 v4, v3;
	v4 =	vmul.f32 v5, v5;
	v5 =	vsub.f32 v7, v9;
	v7 =	vld [tilespmem:s24+$0xDE40]  }
0x26b: {  	v12 =	vld [tilespmem:s24+$0x4E40]  }
0x26c: {  	v4 =	vadd.f32 v4, v3;
	v9 =	vmul.f32 v5, v5;
	v6 =	vsub.f32 v6, v11;
	v3 =	vld [tilespmem:s24+$0xDE50]  }
.Ltmp3:
0x26d: {  	v5 =	vld [tilespmem:s24+$0x4E50];
	(pc) =	sbr.rel @p0 .LBB2_8-.Ltmp3, $4  }
0x26e: {  	v9 =	vadd.f32 v9, v4;
	v11 =	vmul.f32 v6, v6;
	v8 =	vsub.f32 v8, v10;
	v4 =	vld [tilespmem:s24+$0xDE60]  }
0x26f: {  	s5 =	sadd.s32 $0x80, s5;
	v6 =	vld [tilespmem:s24+$0x4E60]  }
0x270: {  	s6 =	sand.u32 $0x7800, s25;
	s26 =	sand.u32 $0x380, s5;
	v9 =	vadd.f32 v11, v9;
	v10 =	vmul.f32 v8, v8;
	v11 =	vsub.f32 v7, v12;
	v7 =	vld [tilespmem:s24+$0xDE70]  }
0x271: {  	s25 =	sadd.s32 $0x100, s25;
	v8 =	vld [tilespmem:s24+$0x4E70];
	s24 =	sor.u32 s26, s6  }
0x272: {  	v12 =	vld [tilespmem:s24+$0xDA00];
	v9 =	vadd.f32 v10, v9;
	v56 =	vmul.f32 v11, v11;
	v3 =	vsub.f32 v3, v5  }
0x273: {  	v57 =	vld [tilespmem:s24+$0x4A00]  }
0x274: {  	v58 =	vld [tilespmem:s24+$0xDA10];
	v9 =	vadd.f32 v56, v9;
	v3 =	vmul.f32 v3, v3;
	v4 =	vsub.f32 v4, v6  }
0x275: {  	v59 =	vld [tilespmem:s24+$0x4A10]  }
0x276: {  	v60 =	vld [tilespmem:s24+$0xDA20];
	v3 =	vadd.f32 v3, v9;
	v4 =	vmul.f32 v4, v4;
	v7 =	vsub.f32 v7, v8  }
0x277: {  	v61 =	vld [tilespmem:s24+$0x4A20]  }
0x278: {  	v62 =	vld [tilespmem:s24+$0xDA30];
	v5 =	vsub.f32 v12, v57;
	v3 =	vadd.f32 v4, v3;
	v63 =	vmul.f32 v7, v7  }
0x279: {  	v12 =	vld [tilespmem:s24+$0x4A30]  }
0x27a: {  	v13 =	vld [tilespmem:s24+$0xDA40];
	v6 =	vsub.f32 v58, v59;
	v5 =	vmul.f32 v5, v5;
	v3 =	vadd.f32 v63, v3  }
0x27b: {  	v14 =	vld [tilespmem:s24+$0x4A40]  }
0x27c: {  	v17 =	vld [tilespmem:s24+$0xDA50];
	v16 =	vsub.f32 v60, v61;
	v15 =	vmul.f32 v6, v6;
	v3 =	vadd.f32 v5, v3  }
0x27d: {  	v18 =	vld [tilespmem:s24+$0x4A50]  }
0x27e: {  	v21 =	vld [tilespmem:s24+$0xDA60];
	v19 =	vmul.f32 v16, v16;
	v20 =	vsub.f32 v62, v12;
	v3 =	vadd.f32 v15, v3  }
0x27f: {  	v22 =	vld [tilespmem:s24+$0x4A60]  }
0x280: {  	v24 =	vld [tilespmem:s24+$0xDA70];
	v4 =	vsub.f32 v13, v14;
	v23 =	vmul.f32 v20, v20;
	v3 =	vadd.f32 v19, v3  }
0x281: {  	v25 =	vld [tilespmem:s24+$0x4A70]  }
0x282: {  	v27 =	vld [tilespmem:s24+$0xDE00];
	v26 =	vsub.f32 v17, v18;
	v4 =	vmul.f32 v4, v4;
	v3 =	vadd.f32 v23, v3  }
0x283: {  	v28 =	vld [tilespmem:s24+$0x4E00]  }
0x284: {  	v31 =	vld [tilespmem:s24+$0xDE10];
	v30 =	vsub.f32 v21, v22;
	v29 =	vmul.f32 v26, v26;
	v3 =	vadd.f32 v4, v3  }
0x285: {  	v32 =	vld [tilespmem:s24+$0x4E10]  }
0x286: {  	v35 =	vld [tilespmem:s24+$0xDE20];
	v34 =	vsub.f32 v24, v25;
	v33 =	vmul.f32 v30, v30;
	v3 =	vadd.f32 v29, v3  }
0x287: {  	v36 =	vld [tilespmem:s24+$0x4E20]  }
0x288: {  	v39 =	vld [tilespmem:s24+$0xDE30];
	v38 =	vsub.f32 v27, v28;
	v37 =	vmul.f32 v34, v34;
	v3 =	vadd.f32 v33, v3  }
0x289: {  	v40 =	vld [tilespmem:s24+$0x4E30]  }
0x28a: {  	v43 =	vld [tilespmem:s24+$0xDE40];
	v42 =	vsub.f32 v31, v32;
	v41 =	vmul.f32 v38, v38;
	v3 =	vadd.f32 v37, v3  }
0x28b: {  	v44 =	vld [tilespmem:s24+$0x4E40]  }
0x28c: {  	v47 =	vld [tilespmem:s24+$0xDE50];
	v46 =	vsub.f32 v35, v36;
	v45 =	vmul.f32 v42, v42;
	v3 =	vadd.f32 v41, v3  }
0x28d: {  	v48 =	vld [tilespmem:s24+$0x4E50]  }
0x28e: {  	v51 =	vld [tilespmem:s24+$0xDE60];
	v50 =	vsub.f32 v39, v40;
	v49 =	vmul.f32 v46, v46;
	v3 =	vadd.f32 v45, v3  }
0x28f: {  	v52 =	vld [tilespmem:s24+$0x4E60]  }
0x290: {  	v55 =	vld [tilespmem:s24+$0xDE70];
	v54 =	vsub.f32 v43, v44;
	v53 =	vmul.f32 v50, v50;
	v3 =	vadd.f32 v49, v3  }
0x291: {  	v56 =	vld [tilespmem:s24+$0x4E70]  }
0x292: {  	v58 =	vsub.f32 v47, v48;
	v57 =	vmul.f32 v54, v54;
	v3 =	vadd.f32 v53, v3;
	_ =	sdelay $0x1  }
0x293: {  	v60 =	vsub.f32 v51, v52;
	v59 =	vmul.f32 v58, v58;
	v3 =	vadd.f32 v57, v3;
	_ =	sdelay $0x1  }
0x294: {  	v61 =	vmul.f32 v60, v60;
	v62 =	vsub.f32 v55, v56;
	v3 =	vadd.f32 v59, v3;
	_ =	sdelay $0x1  }
0x295: {  	v63 =	vmul.f32 v62, v62;
	v3 =	vadd.f32 v61, v3;
	_ =	sdelay $0x1  }
0x296: {  	s23 =	sadd.s32 $0x1, s23;
	v3 =	vadd.f32 v63, v3  }
0x297: {  	p0 =	sne.s32 s23, s13  }
.Ltmp4:
0x298: {  	s5 =	simm.s32 $0x12200;
	[tilespmem:$0x12200] =	vst v3;
	(pc) =	sbr.rel @p0 .LBB2_1-.Ltmp4, $4  }
0x299: {  	[hbm4b:s12+s3] =	stream.linear.scatter [tilespmem:s5], [sflag:$0x5], $0x80, $0x38;
	[tilespmem:$0x12280] =	vst v63  }
0x29a: {  	_ =	swait.ge [sflag:s14], $0x80  }
0x29b: {  	[sflag:s14] =	ssyncset.done $0x0  }
0x29c: {  	[sflag:s14] =	ssyncadd.s32 $0xFFFFFF80  }
0x29d: {  	_ =	sfence.sel $0x180000  }
0x29e: {  	[bflag:$0x0] =	sbarrier.arrive $0xFFFF  }
0x29f: {  	_ =	strace $0x90000047  }
0x2a0: {  	s0 =	stileid.u32;
	[bflag:$0x2] =	sbarrier.arrive $0xFFFF  }
0x2a1: {  	p0 =	sne.s32 s0, $0x0;
	s0 =	rddreg [dreg:$0x3]  }
0x2a2: {  	s0 =	sadd.s32 @!p0 $0x100000, s0  }
0x2a3: {  	[sflag:s0] =	ssyncadd.tile.s32 @!p0 $0x1;
	_ =	shalt  }
.Lfunc_end2:
_tile_overlayer_lowered:
.L_overlay_start_2:
0x2a4: {  	(tag) =	ssettag $0x2  }
0x2a5: {  	s0 =	rddreg [dreg:$0x0];
	s2 =	stileid.u32  }
0x2a6: {  	s1 =	rddreg [dreg:$0x1];
	p0 =	sne.s32 s2, $0x0  }
0x2a7: {  	s3 =	rddreg [dreg:$0x2];
	[bflag:$0x3] =	sbarrier.arrive $0xFFFF;
	s2 =	simm.s32 @!p0 $0x1C05  }
0x2a8: {  	[timem:s3], [sflag:s2] =	dma.local @!p0 [hbm:s0], s1  }
0x2a9: {  	s0 =	simm.s32 @!p0 $0x5  }
0x2aa: {  	_ =	swait.ge @!p0 [sflag:s0], s1  }
0x2ab: {  	s1 =	ssub.s32 @!p0 $0x0, s1;
	[sflag:s0] =	ssyncset.done @!p0 $0x0  }
0x2ac: {  	[sflag:s0] =	ssyncadd.s32 @!p0 s1  }
0x2ad: {  	[bflag:$0x3] =	sbarrier.arrive $0xFFFF  }
0x2ae: {  	_ =	shalt  }

</sc_bundles>
